<compile_context>
chip_gen: v7x
topology: tpu7x:2x2x1
jax: 0.10.2.dev20260603
libtpu: 0.0.44.dev20260713+nightly
codegen_flags: <defaults>
</compile_context>

<pallas_src>
import functools

import jax
import jax.numpy as jnp
from jax import lax
from jax.experimental import pallas as pl
from jax.experimental.pallas import tpu as pltpu
from jax.experimental.pallas import tpu_sc as plsc

_TOP_RATIO = 0.3
_NB = 2048
_L = 16


def _nll_body(x_ref, t_ref, nll_ref, sum_ref, acc_ref, *, nsteps):
    step = pl.program_id(0) * pl.num_programs(1) + pl.program_id(1)
    t = t_ref[0]
    s = jnp.zeros(t.shape, jnp.float32)
    xt = jnp.zeros(t.shape, jnp.float32)
    for c in range(x_ref.shape[1]):
        xc = x_ref[0, c]
        s = s + jnp.exp(xc)
        xt = xt + jnp.where(t == c, xc, 0.0)
    nll = jnp.log(s) - xt

    @pl.when(step == 0)
    def _init():
        acc_ref[0] = 0.0

    ones = jnp.full((8, nll.shape[0]), 1.0, dtype=jnp.float32)
    red = lax.dot_general(ones, nll, (((1,), (0,)), ((), ())),
                          preferred_element_type=jnp.float32)
    acc_ref[0] += jnp.sum(red[0])
    nll_ref[...] = nll

    @pl.when(step == nsteps - 1)
    def _fin():
        sum_ref[0, 0] = acc_ref[0]


def _sc_hist_body(nll_hbm, cnt_hbm, sum_hbm, data_v, hist_c, hist_s,
                  outc_v, outs_v, *, chunk):
    wid = lax.axis_index("s") * 2 + lax.axis_index("c")
    base = wid * chunk
    pltpu.sync_copy(nll_hbm.at[pl.ds(base, chunk)], data_v)

    zero16 = jnp.zeros((_L,), jnp.float32)

    def _zero(i, _):
        hist_c[pl.ds(i * _L, _L)] = zero16
        hist_s[pl.ds(i * _L, _L)] = zero16
        return 0
    lax.fori_loop(0, (_NB * _L) // _L, _zero, 0, unroll=8)

    lane = lax.broadcasted_iota(jnp.int32, (_L,), 0) * _NB
    ones16 = jnp.full((_L,), 1.0, jnp.float32)

    def _scan(i, _):
        v = data_v[pl.ds(i * _L, _L)]
        b = lax.shift_right_logical(lax.bitcast_convert_type(v, jnp.int32), 20)
        idx = b + lane
        plsc.addupdate_scatter(hist_c, [idx], ones16)
        plsc.addupdate_scatter(hist_s, [idx], v)
        return 0
    lax.fori_loop(0, chunk // _L, _scan, 0, unroll=8)

    def _merge(i, _):
        c = hist_c[pl.ds(i * _L, _L)]
        s = hist_s[pl.ds(i * _L, _L)]
        for l in range(1, _L):
            c = c + hist_c[pl.ds(l * _NB + i * _L, _L)]
            s = s + hist_s[pl.ds(l * _NB + i * _L, _L)]
        outc_v[pl.ds(i * _L, _L)] = c
        outs_v[pl.ds(i * _L, _L)] = s
        return 0
    lax.fori_loop(0, _NB // _L, _merge, 0)

    pltpu.sync_copy(outc_v, cnt_hbm.at[wid])
    pltpu.sync_copy(outs_v, sum_hbm.at[wid])


def _finish_body(cnt_ref, sum_ref, tot_ref, out_ref, *, k, n, nw):
    rows = _NB // 128
    cnt = jnp.sum(cnt_ref[...].reshape(nw, rows, 128), axis=0)
    vsum = jnp.sum(sum_ref[...].reshape(nw, rows, 128), axis=0)
    idx2 = (lax.broadcasted_iota(jnp.int32, (rows, 128), 0) * 128
            + lax.broadcasted_iota(jnp.int32, (rows, 128), 1))
    kf = jnp.float32(k)

    def _above(b):
        return jnp.sum(jnp.where(idx2 >= b, cnt, 0.0))

    def _bis(_, carry):
        lo, hi = carry
        mid = (lo + hi) // 2
        pred = _above(mid) >= kf
        return (jnp.where(pred, mid, lo), jnp.where(pred, hi, mid))

    lo, hi = lax.fori_loop(0, 11, _bis, (jnp.int32(0), jnp.int32(_NB)))
    bstar = lo
    ca = jnp.sum(jnp.where(idx2 > bstar, cnt, 0.0))
    sa = jnp.sum(jnp.where(idx2 > bstar, vsum, 0.0))
    cb = jnp.sum(jnp.where(idx2 == bstar, cnt, 0.0))
    sb = jnp.sum(jnp.where(idx2 == bstar, vsum, 0.0))
    blo = lax.bitcast_convert_type(bstar << 20, jnp.float32)
    bhi = lax.bitcast_convert_type((bstar + 1) << 20, jnp.float32)
    bwidth = bhi - blo
    need = kf - ca
    f = need / jnp.maximum(cb, 1.0)
    est = need * (blo + bwidth * (1.0 - 0.5 * f))
    est = jnp.where(cb > 0.0, est, 0.0)
    topk = sa + est
    out_ref[0, 0] = tot_ref[0, 0] / jnp.float32(n) + topk / kf


def kernel(input, target):
    b, c, h, w = input.shape
    hb = 64
    nh = h // hb
    nsteps = b * nh
    n = b * h * w
    k = max(int(_TOP_RATIO * n), 1)
    nw = 32
    chunk = n // nw

    nll_map, tot = pl.pallas_call(
        functools.partial(_nll_body, nsteps=nsteps),
        grid=(b, nh),
        in_specs=[
            pl.BlockSpec((1, c, hb, w), lambda i, j: (i, 0, j, 0)),
            pl.BlockSpec((1, hb, w), lambda i, j: (i, j, 0)),
        ],
        out_specs=[
            pl.BlockSpec((hb, w), lambda i, j: (i * nh + j, 0)),
            pl.BlockSpec(memory_space=pltpu.SMEM),
        ],
        out_shape=[
            jax.ShapeDtypeStruct((nsteps * hb, w), jnp.float32),
            jax.ShapeDtypeStruct((1, 1), jnp.float32),
        ],
        scratch_shapes=[pltpu.SMEM((1,), jnp.float32)],
        compiler_params=pltpu.CompilerParams(
            dimension_semantics=("arbitrary", "arbitrary")),
    )(input, target)

    mesh = plsc.VectorSubcoreMesh(core_axis_name="c", subcore_axis_name="s")
    sc_hist = functools.partial(
        pl.kernel,
        mesh=mesh,
        out_type=[
            jax.ShapeDtypeStruct((nw, _NB), jnp.float32),
            jax.ShapeDtypeStruct((nw, _NB), jnp.float32),
        ],
        scratch_types=[
            pltpu.VMEM((chunk,), jnp.float32),
            pltpu.VMEM((_NB * _L,), jnp.float32),
            pltpu.VMEM((_NB * _L,), jnp.float32),
            pltpu.VMEM((_NB,), jnp.float32),
            pltpu.VMEM((_NB,), jnp.float32),
        ],
        compiler_params=pltpu.CompilerParams(needs_layout_passes=False),
    )(functools.partial(_sc_hist_body, chunk=chunk))
    cnt_h, sum_h = sc_hist(nll_map.reshape(-1))

    out = pl.pallas_call(
        functools.partial(_finish_body, k=k, n=n, nw=nw),
        in_specs=[
            pl.BlockSpec((nw, _NB), lambda: (0, 0)),
            pl.BlockSpec((nw, _NB), lambda: (0, 0)),
            pl.BlockSpec(memory_space=pltpu.SMEM),
        ],
        out_specs=pl.BlockSpec(memory_space=pltpu.SMEM),
        out_shape=jax.ShapeDtypeStruct((1, 1), jnp.float32),
    )(cnt_h, sum_h, tot)
    return out[0, 0]

# --- scband reference (transcript-rebuilt; emitter-appended) ---
"""Pipeline reference for scband-cross-entropy-ohemloss-35064113005031 (READ-ONLY COPY).

The authoritative reference and input builder live on the scoring server;
editing this copy changes nothing except your own understanding.
"""

import jax, jax.numpy as jnp
import numpy as np

TOP_RATIO = 0.3
TOP_WEIGHT = 1.0
LOSS_WEIGHT = 1.0


def setup_inputs(seed: int = 0) -> dict:
    key = jax.random.key(seed)
    k1, k2 = jax.random.split(key)
    logits = jax.random.normal(k1, (4, 19, 512, 512), dtype=jnp.float32)
    target = jax.random.randint(k2, (4, 512, 512), 0, 19, dtype=jnp.int32)
    return {"input": logits, "target": target}


def reference(input, target):
    # CrossEntropyLoss(reduction='none') over class dim=1, per-pixel
    logp = jax.nn.log_softmax(input, axis=1)
    nll = -jnp.take_along_axis(logp, target[:, None, :, :], axis=1)[:, 0]
    loss = LOSS_WEIGHT * nll  # shape [B, H, W]
    flat = loss.reshape(-1)
    k = max(int(TOP_RATIO * flat.shape[0]), 1)
    loss_topk, topk_idx = jax.lax.top_k(flat, k)
    # reduction == 'mean'
    loss_red = jnp.mean(flat)
    topk_red = jnp.mean(loss_topk)
    return loss_red + TOP_WEIGHT * topk_red

if __name__ == "__main__":
    import jax
    _d = setup_inputs()
    print(jax.jit(kernel)(*tuple(_d.values())))

</pallas_src>

<mosaic_0001>
#map = affine_map<(d0, d1) -> (0)>
#map1 = affine_map<(d0, d1) -> (0, 0)>
module attributes {stable_mosaic.version = 14 : i64} {
  func.func @_sc_hist_body(%arg0: i32, %arg1: i32, %arg2: memref<1048576xf32, #tpu.memory_space<hbm>>, %arg3: memref<32x2048xf32, #tpu.memory_space<hbm>>, %arg4: memref<32x2048xf32, #tpu.memory_space<hbm>>, %arg5: memref<32768xf32, #tpu.memory_space<vmem>>, %arg6: memref<32768xf32, #tpu.memory_space<vmem>>, %arg7: memref<32768xf32, #tpu.memory_space<vmem>>, %arg8: memref<2048xf32, #tpu.memory_space<vmem>>, %arg9: memref<2048xf32, #tpu.memory_space<vmem>>) attributes {dimension_semantics = [#tpu.dimension_semantics<core_parallel>, #tpu.dimension_semantics<subcore_parallel>], iteration_bounds = array<i64: 2, 16>, scalar_prefetch = 0 : i64, scratch_operands = 5 : i64, tpu.core_type = #tpu.core_type<sc_vector_subcore>, window_params = [{transform_indices = #map}, {transform_indices = #map1}, {transform_indices = #map1}]} {
    %mul3A = arith.constant 2 : i32
    %mul3A_0 = arith.muli %arg1, %mul3A : i32
    %add3A = arith.addi %mul3A_0, %arg0 : i32
    %mul3A_1 = arith.constant 32768 : i32
    %mul3A_2 = arith.muli %add3A, %mul3A_1 : i32
    "tpu.region"() ({
      %run_scoped3A = tpu.sem_alloc : memref<!tpu.dma_semaphore, #tpu.memory_space<semaphore_mem>>
      %dma_start3A = tpu.memref_slice %arg2[%mul3A_2] : memref<1048576xf32, #tpu.memory_space<hbm>> -> memref<32768xf32, #tpu.memory_space<hbm>>
      %dma_start3A_29 = tpu.memref_slice %arg2[%mul3A_2] : memref<1048576xf32, #tpu.memory_space<hbm>> -> memref<32768xf32, #tpu.memory_space<hbm>>
      tpu.enqueue_dma source(%dma_start3A_29 : memref<32768xf32, #tpu.memory_space<hbm>>) target(%arg5 : memref<32768xf32, #tpu.memory_space<vmem>>) target_semaphore(%run_scoped3A : memref<!tpu.dma_semaphore, #tpu.memory_space<semaphore_mem>>)
      %dma_wait3A = tpu.memref_slice %arg2[%mul3A_2] : memref<1048576xf32, #tpu.memory_space<hbm>> -> memref<32768xf32, #tpu.memory_space<hbm>>
      %dma_wait3A_30 = tpu.memref_slice %arg2[%mul3A_2] : memref<1048576xf32, #tpu.memory_space<hbm>> -> memref<32768xf32, #tpu.memory_space<hbm>>
      tpu.wait_dma2 semaphore(%run_scoped3A : memref<!tpu.dma_semaphore, #tpu.memory_space<semaphore_mem>>) src(%dma_wait3A_30 : memref<32768xf32, #tpu.memory_space<hbm>>) dst(%arg5 : memref<32768xf32, #tpu.memory_space<vmem>>)
      tpu.yield
    }) : () -> ()
    %broadcast_in_dim3A = arith.constant 0.000000e+00 : f32
    %broadcast_in_dim3A_3 = vector.broadcast %broadcast_in_dim3A : f32 to vector<16xf32>
    %scan3A = arith.constant 0 : i32
    %scan3A_4 = arith.constant 0 : i32
    %scan3A_5 = arith.constant 2048 : i32
    %scan3A_6 = arith.addi %scan3A_4, %scan3A_5 : i32
    %scan3A_7 = arith.constant 8 : i32
    %scan3A_8 = scf.for %scan3A_29 = %scan3A_4 to %scan3A_6 step %scan3A_7 iter_args(%scan3A_30 = %scan3A) -> (i32)  : i32 {
      %mul3A_31 = arith.constant 16 : i32
      %mul3A_32 = arith.muli %scan3A_29, %mul3A_31 : i32
      %swap3A = arith.index_cast %mul3A_32 : i32 to index
      %swap3A_33 = tpu.vector_load %arg6[%swap3A] {strides = array<i32>} : memref<32768xf32, #tpu.memory_space<vmem>>, vector<16xf32>,
      tpu.vector_store %arg6[%swap3A], %broadcast_in_dim3A_3 {strides = array<i32>} : memref<32768xf32, #tpu.memory_space<vmem>>, vector<16xf32>,
      %mul3A_34 = arith.constant 16 : i32
      %mul3A_35 = arith.muli %scan3A_29, %mul3A_34 : i32
      %swap3A_36 = arith.index_cast %mul3A_35 : i32 to index
      %swap3A_37 = tpu.vector_load %arg7[%swap3A_36] {strides = array<i32>} : memref<32768xf32, #tpu.memory_space<vmem>>, vector<16xf32>,
      tpu.vector_store %arg7[%swap3A_36], %broadcast_in_dim3A_3 {strides = array<i32>} : memref<32768xf32, #tpu.memory_space<vmem>>, vector<16xf32>,
      %scan3A_38 = arith.constant 0 : i32
      %scan3A_39 = arith.constant 1 : i32
      %scan3A_40 = arith.addi %scan3A_29, %scan3A_39 : i32
      %mul3A_41 = arith.constant 16 : i32
      %mul3A_42 = arith.muli %scan3A_40, %mul3A_41 : i32
      %swap3A_43 = arith.index_cast %mul3A_42 : i32 to index
      %swap3A_44 = tpu.vector_load %arg6[%swap3A_43] {strides = array<i32>} : memref<32768xf32, #tpu.memory_space<vmem>>, vector<16xf32>,
      tpu.vector_store %arg6[%swap3A_43], %broadcast_in_dim3A_3 {strides = array<i32>} : memref<32768xf32, #tpu.memory_space<vmem>>, vector<16xf32>,
      %mul3A_45 = arith.constant 16 : i32
      %mul3A_46 = arith.muli %scan3A_40, %mul3A_45 : i32
      %swap3A_47 = arith.index_cast %mul3A_46 : i32 to index
      %swap3A_48 = tpu.vector_load %arg7[%swap3A_47] {strides = array<i32>} : memref<32768xf32, #tpu.memory_space<vmem>>, vector<16xf32>,
      tpu.vector_store %arg7[%swap3A_47], %broadcast_in_dim3A_3 {strides = array<i32>} : memref<32768xf32, #tpu.memory_space<vmem>>, vector<16xf32>,
      %scan3A_49 = arith.constant 0 : i32
      %scan3A_50 = arith.constant 2 : i32
      %scan3A_51 = arith.addi %scan3A_29, %scan3A_50 : i32
      %mul3A_52 = arith.constant 16 : i32
      %mul3A_53 = arith.muli %scan3A_51, %mul3A_52 : i32
      %swap3A_54 = arith.index_cast %mul3A_53 : i32 to index
      %swap3A_55 = tpu.vector_load %arg6[%swap3A_54] {strides = array<i32>} : memref<32768xf32, #tpu.memory_space<vmem>>, vector<16xf32>,
      tpu.vector_store %arg6[%swap3A_54], %broadcast_in_dim3A_3 {strides = array<i32>} : memref<32768xf32, #tpu.memory_space<vmem>>, vector<16xf32>,
      %mul3A_56 = arith.constant 16 : i32
      %mul3A_57 = arith.muli %scan3A_51, %mul3A_56 : i32
      %swap3A_58 = arith.index_cast %mul3A_57 : i32 to index
      %swap3A_59 = tpu.vector_load %arg7[%swap3A_58] {strides = array<i32>} : memref<32768xf32, #tpu.memory_space<vmem>>, vector<16xf32>,
      tpu.vector_store %arg7[%swap3A_58], %broadcast_in_dim3A_3 {strides = array<i32>} : memref<32768xf32, #tpu.memory_space<vmem>>, vector<16xf32>,
      %scan3A_60 = arith.constant 0 : i32
      %scan3A_61 = arith.constant 3 : i32
      %scan3A_62 = arith.addi %scan3A_29, %scan3A_61 : i32
      %mul3A_63 = arith.constant 16 : i32
      %mul3A_64 = arith.muli %scan3A_62, %mul3A_63 : i32
      %swap3A_65 = arith.index_cast %mul3A_64 : i32 to index
      %swap3A_66 = tpu.vector_load %arg6[%swap3A_65] {strides = array<i32>} : memref<32768xf32, #tpu.memory_space<vmem>>, vector<16xf32>,
      tpu.vector_store %arg6[%swap3A_65], %broadcast_in_dim3A_3 {strides = array<i32>} : memref<32768xf32, #tpu.memory_space<vmem>>, vector<16xf32>,
      %mul3A_67 = arith.constant 16 : i32
      %mul3A_68 = arith.muli %scan3A_62, %mul3A_67 : i32
      %swap3A_69 = arith.index_cast %mul3A_68 : i32 to index
      %swap3A_70 = tpu.vector_load %arg7[%swap3A_69] {strides = array<i32>} : memref<32768xf32, #tpu.memory_space<vmem>>, vector<16xf32>,
      tpu.vector_store %arg7[%swap3A_69], %broadcast_in_dim3A_3 {strides = array<i32>} : memref<32768xf32, #tpu.memory_space<vmem>>, vector<16xf32>,
      %scan3A_71 = arith.constant 0 : i32
      %scan3A_72 = arith.constant 4 : i32
      %scan3A_73 = arith.addi %scan3A_29, %scan3A_72 : i32
      %mul3A_74 = arith.constant 16 : i32
      %mul3A_75 = arith.muli %scan3A_73, %mul3A_74 : i32
      %swap3A_76 = arith.index_cast %mul3A_75 : i32 to index
      %swap3A_77 = tpu.vector_load %arg6[%swap3A_76] {strides = array<i32>} : memref<32768xf32, #tpu.memory_space<vmem>>, vector<16xf32>,
      tpu.vector_store %arg6[%swap3A_76], %broadcast_in_dim3A_3 {strides = array<i32>} : memref<32768xf32, #tpu.memory_space<vmem>>, vector<16xf32>,
      %mul3A_78 = arith.constant 16 : i32
      %mul3A_79 = arith.muli %scan3A_73, %mul3A_78 : i32
      %swap3A_80 = arith.index_cast %mul3A_79 : i32 to index
      %swap3A_81 = tpu.vector_load %arg7[%swap3A_80] {strides = array<i32>} : memref<32768xf32, #tpu.memory_space<vmem>>, vector<16xf32>,
      tpu.vector_store %arg7[%swap3A_80], %broadcast_in_dim3A_3 {strides = array<i32>} : memref<32768xf32, #tpu.memory_space<vmem>>, vector<16xf32>,
      %scan3A_82 = arith.constant 0 : i32
      %scan3A_83 = arith.constant 5 : i32
      %scan3A_84 = arith.addi %scan3A_29, %scan3A_83 : i32
      %mul3A_85 = arith.constant 16 : i32
      %mul3A_86 = arith.muli %scan3A_84, %mul3A_85 : i32
      %swap3A_87 = arith.index_cast %mul3A_86 : i32 to index
      %swap3A_88 = tpu.vector_load %arg6[%swap3A_87] {strides = array<i32>} : memref<32768xf32, #tpu.memory_space<vmem>>, vector<16xf32>,
      tpu.vector_store %arg6[%swap3A_87], %broadcast_in_dim3A_3 {strides = array<i32>} : memref<32768xf32, #tpu.memory_space<vmem>>, vector<16xf32>,
      %mul3A_89 = arith.constant 16 : i32
      %mul3A_90 = arith.muli %scan3A_84, %mul3A_89 : i32
      %swap3A_91 = arith.index_cast %mul3A_90 : i32 to index
      %swap3A_92 = tpu.vector_load %arg7[%swap3A_91] {strides = array<i32>} : memref<32768xf32, #tpu.memory_space<vmem>>, vector<16xf32>,
      tpu.vector_store %arg7[%swap3A_91], %broadcast_in_dim3A_3 {strides = array<i32>} : memref<32768xf32, #tpu.memory_space<vmem>>, vector<16xf32>,
      %scan3A_93 = arith.constant 0 : i32
      %scan3A_94 = arith.constant 6 : i32
      %scan3A_95 = arith.addi %scan3A_29, %scan3A_94 : i32
      %mul3A_96 = arith.constant 16 : i32
      %mul3A_97 = arith.muli %scan3A_95, %mul3A_96 : i32
      %swap3A_98 = arith.index_cast %mul3A_97 : i32 to index
      %swap3A_99 = tpu.vector_load %arg6[%swap3A_98] {strides = array<i32>} : memref<32768xf32, #tpu.memory_space<vmem>>, vector<16xf32>,
      tpu.vector_store %arg6[%swap3A_98], %broadcast_in_dim3A_3 {strides = array<i32>} : memref<32768xf32, #tpu.memory_space<vmem>>, vector<16xf32>,
      %mul3A_100 = arith.constant 16 : i32
      %mul3A_101 = arith.muli %scan3A_95, %mul3A_100 : i32
      %swap3A_102 = arith.index_cast %mul3A_101 : i32 to index
      %swap3A_103 = tpu.vector_load %arg7[%swap3A_102] {strides = array<i32>} : memref<32768xf32, #tpu.memory_space<vmem>>, vector<16xf32>,
      tpu.vector_store %arg7[%swap3A_102], %broadcast_in_dim3A_3 {strides = array<i32>} : memref<32768xf32, #tpu.memory_space<vmem>>, vector<16xf32>,
      %scan3A_104 = arith.constant 0 : i32
      %scan3A_105 = arith.constant 7 : i32
      %scan3A_106 = arith.addi %scan3A_29, %scan3A_105 : i32
      %mul3A_107 = arith.constant 16 : i32
      %mul3A_108 = arith.muli %scan3A_106, %mul3A_107 : i32
      %swap3A_109 = arith.index_cast %mul3A_108 : i32 to index
      %swap3A_110 = tpu.vector_load %arg6[%swap3A_109] {strides = array<i32>} : memref<32768xf32, #tpu.memory_space<vmem>>, vector<16xf32>,
      tpu.vector_store %arg6[%swap3A_109], %broadcast_in_dim3A_3 {strides = array<i32>} : memref<32768xf32, #tpu.memory_space<vmem>>, vector<16xf32>,
      %mul3A_111 = arith.constant 16 : i32
      %mul3A_112 = arith.muli %scan3A_106, %mul3A_111 : i32
      %swap3A_113 = arith.index_cast %mul3A_112 : i32 to index
      %swap3A_114 = tpu.vector_load %arg7[%swap3A_113] {strides = array<i32>} : memref<32768xf32, #tpu.memory_space<vmem>>, vector<16xf32>,
      tpu.vector_store %arg7[%swap3A_113], %broadcast_in_dim3A_3 {strides = array<i32>} : memref<32768xf32, #tpu.memory_space<vmem>>, vector<16xf32>,
      %scan3A_115 = arith.constant 0 : i32
      scf.yield %scan3A_115 : i32
    }
    %scan3A_9 = arith.constant 2048 : i32
    %iota3A = tpu.iota {dimensions = array<i32: 0>} : vector<16xi32>
    %mul3A_10 = arith.constant 2048 : i32
    %mul3A_11 = vector.broadcast %mul3A_10 : i32 to vector<16xi32>
    %mul3A_12 = arith.muli %iota3A, %mul3A_11 : vector<16xi32>
    %broadcast_in_dim3A_13 = arith.constant 1.000000e+00 : f32
    %broadcast_in_dim3A_14 = vector.broadcast %broadcast_in_dim3A_13 : f32 to vector<16xf32>
    %scan3A_15 = arith.constant 0 : i32
    %scan3A_16 = arith.constant 0 : i32
    %scan3A_17 = arith.constant 2048 : i32
    %scan3A_18 = arith.addi %scan3A_16, %scan3A_17 : i32
    %scan3A_19 = arith.constant 8 : i32
    %scan3A_20 = scf.for %scan3A_29 = %scan3A_16 to %scan3A_18 step %scan3A_19 iter_args(%scan3A_30 = %scan3A_15) -> (i32)  : i32 {
      %mul3A_31 = arith.constant 16 : i32
      %mul3A_32 = arith.muli %scan3A_29, %mul3A_31 : i32
      %get3A = arith.index_cast %mul3A_32 : i32 to index
      %get3A_33 = tpu.vector_load %arg5[%get3A] {strides = array<i32>} : memref<32768xf32, #tpu.memory_space<vmem>>, vector<16xf32>,
      %bitcast_convert_type3A = tpu.bitcast %get3A_33 : vector<16xf32> -> vector<16xi32>
      %shift_right_logical3A = arith.constant 20 : i32
      %shift_right_logical3A_34 = vector.broadcast %shift_right_logical3A : i32 to vector<16xi32>
      %shift_right_logical3A_35 = arith.shrui %bitcast_convert_type3A, %shift_right_logical3A_34 : vector<16xi32>
      %add3A_36 = arith.addi %shift_right_logical3A_35, %mul3A_12 : vector<16xi32>
      tpu.vector_store_idx %arg6[%add3A_36], %broadcast_in_dim3A_14 {add = true} : memref<32768xf32, #tpu.memory_space<vmem>>[vector<16xi32>], vector<16xf32>,
      tpu.vector_store_idx %arg7[%add3A_36], %get3A_33 {add = true} : memref<32768xf32, #tpu.memory_space<vmem>>[vector<16xi32>], vector<16xf32>,
      %scan3A_37 = arith.constant 0 : i32
      %scan3A_38 = arith.constant 1 : i32
      %scan3A_39 = arith.addi %scan3A_29, %scan3A_38 : i32
      %mul3A_40 = arith.constant 16 : i32
      %mul3A_41 = arith.muli %scan3A_39, %mul3A_40 : i32
      %get3A_42 = arith.index_cast %mul3A_41 : i32 to index
      %get3A_43 = tpu.vector_load %arg5[%get3A_42] {strides = array<i32>} : memref<32768xf32, #tpu.memory_space<vmem>>, vector<16xf32>,
      %bitcast_convert_type3A_44 = tpu.bitcast %get3A_43 : vector<16xf32> -> vector<16xi32>
      %shift_right_logical3A_45 = arith.constant 20 : i32
      %shift_right_logical3A_46 = vector.broadcast %shift_right_logical3A_45 : i32 to vector<16xi32>
      %shift_right_logical3A_47 = arith.shrui %bitcast_convert_type3A_44, %shift_right_logical3A_46 : vector<16xi32>
      %add3A_48 = arith.addi %shift_right_logical3A_47, %mul3A_12 : vector<16xi32>
      tpu.vector_store_idx %arg6[%add3A_48], %broadcast_in_dim3A_14 {add = true} : memref<32768xf32, #tpu.memory_space<vmem>>[vector<16xi32>], vector<16xf32>,
      tpu.vector_store_idx %arg7[%add3A_48], %get3A_43 {add = true} : memref<32768xf32, #tpu.memory_space<vmem>>[vector<16xi32>], vector<16xf32>,
      %scan3A_49 = arith.constant 0 : i32
      %scan3A_50 = arith.constant 2 : i32
      %scan3A_51 = arith.addi %scan3A_29, %scan3A_50 : i32
      %mul3A_52 = arith.constant 16 : i32
      %mul3A_53 = arith.muli %scan3A_51, %mul3A_52 : i32
      %get3A_54 = arith.index_cast %mul3A_53 : i32 to index
      %get3A_55 = tpu.vector_load %arg5[%get3A_54] {strides = array<i32>} : memref<32768xf32, #tpu.memory_space<vmem>>, vector<16xf32>,
      %bitcast_convert_type3A_56 = tpu.bitcast %get3A_55 : vector<16xf32> -> vector<16xi32>
      %shift_right_logical3A_57 = arith.constant 20 : i32
      %shift_right_logical3A_58 = vector.broadcast %shift_right_logical3A_57 : i32 to vector<16xi32>
      %shift_right_logical3A_59 = arith.shrui %bitcast_convert_type3A_56, %shift_right_logical3A_58 : vector<16xi32>
      %add3A_60 = arith.addi %shift_right_logical3A_59, %mul3A_12 : vector<16xi32>
      tpu.vector_store_idx %arg6[%add3A_60], %broadcast_in_dim3A_14 {add = true} : memref<32768xf32, #tpu.memory_space<vmem>>[vector<16xi32>], vector<16xf32>,
      tpu.vector_store_idx %arg7[%add3A_60], %get3A_55 {add = true} : memref<32768xf32, #tpu.memory_space<vmem>>[vector<16xi32>], vector<16xf32>,
      %scan3A_61 = arith.constant 0 : i32
      %scan3A_62 = arith.constant 3 : i32
      %scan3A_63 = arith.addi %scan3A_29, %scan3A_62 : i32
      %mul3A_64 = arith.constant 16 : i32
      %mul3A_65 = arith.muli %scan3A_63, %mul3A_64 : i32
      %get3A_66 = arith.index_cast %mul3A_65 : i32 to index
      %get3A_67 = tpu.vector_load %arg5[%get3A_66] {strides = array<i32>} : memref<32768xf32, #tpu.memory_space<vmem>>, vector<16xf32>,
      %bitcast_convert_type3A_68 = tpu.bitcast %get3A_67 : vector<16xf32> -> vector<16xi32>
      %shift_right_logical3A_69 = arith.constant 20 : i32
      %shift_right_logical3A_70 = vector.broadcast %shift_right_logical3A_69 : i32 to vector<16xi32>
      %shift_right_logical3A_71 = arith.shrui %bitcast_convert_type3A_68, %shift_right_logical3A_70 : vector<16xi32>
      %add3A_72 = arith.addi %shift_right_logical3A_71, %mul3A_12 : vector<16xi32>
      tpu.vector_store_idx %arg6[%add3A_72], %broadcast_in_dim3A_14 {add = true} : memref<32768xf32, #tpu.memory_space<vmem>>[vector<16xi32>], vector<16xf32>,
      tpu.vector_store_idx %arg7[%add3A_72], %get3A_67 {add = true} : memref<32768xf32, #tpu.memory_space<vmem>>[vector<16xi32>], vector<16xf32>,
      %scan3A_73 = arith.constant 0 : i32
      %scan3A_74 = arith.constant 4 : i32
      %scan3A_75 = arith.addi %scan3A_29, %scan3A_74 : i32
      %mul3A_76 = arith.constant 16 : i32
      %mul3A_77 = arith.muli %scan3A_75, %mul3A_76 : i32
      %get3A_78 = arith.index_cast %mul3A_77 : i32 to index
      %get3A_79 = tpu.vector_load %arg5[%get3A_78] {strides = array<i32>} : memref<32768xf32, #tpu.memory_space<vmem>>, vector<16xf32>,
      %bitcast_convert_type3A_80 = tpu.bitcast %get3A_79 : vector<16xf32> -> vector<16xi32>
      %shift_right_logical3A_81 = arith.constant 20 : i32
      %shift_right_logical3A_82 = vector.broadcast %shift_right_logical3A_81 : i32 to vector<16xi32>
      %shift_right_logical3A_83 = arith.shrui %bitcast_convert_type3A_80, %shift_right_logical3A_82 : vector<16xi32>
      %add3A_84 = arith.addi %shift_right_logical3A_83, %mul3A_12 : vector<16xi32>
      tpu.vector_store_idx %arg6[%add3A_84], %broadcast_in_dim3A_14 {add = true} : memref<32768xf32, #tpu.memory_space<vmem>>[vector<16xi32>], vector<16xf32>,
      tpu.vector_store_idx %arg7[%add3A_84], %get3A_79 {add = true} : memref<32768xf32, #tpu.memory_space<vmem>>[vector<16xi32>], vector<16xf32>,
      %scan3A_85 = arith.constant 0 : i32
      %scan3A_86 = arith.constant 5 : i32
      %scan3A_87 = arith.addi %scan3A_29, %scan3A_86 : i32
      %mul3A_88 = arith.constant 16 : i32
      %mul3A_89 = arith.muli %scan3A_87, %mul3A_88 : i32
      %get3A_90 = arith.index_cast %mul3A_89 : i32 to index
      %get3A_91 = tpu.vector_load %arg5[%get3A_90] {strides = array<i32>} : memref<32768xf32, #tpu.memory_space<vmem>>, vector<16xf32>,
      %bitcast_convert_type3A_92 = tpu.bitcast %get3A_91 : vector<16xf32> -> vector<16xi32>
      %shift_right_logical3A_93 = arith.constant 20 : i32
      %shift_right_logical3A_94 = vector.broadcast %shift_right_logical3A_93 : i32 to vector<16xi32>
      %shift_right_logical3A_95 = arith.shrui %bitcast_convert_type3A_92, %shift_right_logical3A_94 : vector<16xi32>
      %add3A_96 = arith.addi %shift_right_logical3A_95, %mul3A_12 : vector<16xi32>
      tpu.vector_store_idx %arg6[%add3A_96], %broadcast_in_dim3A_14 {add = true} : memref<32768xf32, #tpu.memory_space<vmem>>[vector<16xi32>], vector<16xf32>,
      tpu.vector_store_idx %arg7[%add3A_96], %get3A_91 {add = true} : memref<32768xf32, #tpu.memory_space<vmem>>[vector<16xi32>], vector<16xf32>,
      %scan3A_97 = arith.constant 0 : i32
      %scan3A_98 = arith.constant 6 : i32
      %scan3A_99 = arith.addi %scan3A_29, %scan3A_98 : i32
      %mul3A_100 = arith.constant 16 : i32
      %mul3A_101 = arith.muli %scan3A_99, %mul3A_100 : i32
      %get3A_102 = arith.index_cast %mul3A_101 : i32 to index
      %get3A_103 = tpu.vector_load %arg5[%get3A_102] {strides = array<i32>} : memref<32768xf32, #tpu.memory_space<vmem>>, vector<16xf32>,
      %bitcast_convert_type3A_104 = tpu.bitcast %get3A_103 : vector<16xf32> -> vector<16xi32>
      %shift_right_logical3A_105 = arith.constant 20 : i32
      %shift_right_logical3A_106 = vector.broadcast %shift_right_logical3A_105 : i32 to vector<16xi32>
      %shift_right_logical3A_107 = arith.shrui %bitcast_convert_type3A_104, %shift_right_logical3A_106 : vector<16xi32>
      %add3A_108 = arith.addi %shift_right_logical3A_107, %mul3A_12 : vector<16xi32>
      tpu.vector_store_idx %arg6[%add3A_108], %broadcast_in_dim3A_14 {add = true} : memref<32768xf32, #tpu.memory_space<vmem>>[vector<16xi32>], vector<16xf32>,
      tpu.vector_store_idx %arg7[%add3A_108], %get3A_103 {add = true} : memref<32768xf32, #tpu.memory_space<vmem>>[vector<16xi32>], vector<16xf32>,
      %scan3A_109 = arith.constant 0 : i32
      %scan3A_110 = arith.constant 7 : i32
      %scan3A_111 = arith.addi %scan3A_29, %scan3A_110 : i32
      %mul3A_112 = arith.constant 16 : i32
      %mul3A_113 = arith.muli %scan3A_111, %mul3A_112 : i32
      %get3A_114 = arith.index_cast %mul3A_113 : i32 to index
      %get3A_115 = tpu.vector_load %arg5[%get3A_114] {strides = array<i32>} : memref<32768xf32, #tpu.memory_space<vmem>>, vector<16xf32>,
      %bitcast_convert_type3A_116 = tpu.bitcast %get3A_115 : vector<16xf32> -> vector<16xi32>
      %shift_right_logical3A_117 = arith.constant 20 : i32
      %shift_right_logical3A_118 = vector.broadcast %shift_right_logical3A_117 : i32 to vector<16xi32>
      %shift_right_logical3A_119 = arith.shrui %bitcast_convert_type3A_116, %shift_right_logical3A_118 : vector<16xi32>
      %add3A_120 = arith.addi %shift_right_logical3A_119, %mul3A_12 : vector<16xi32>
      tpu.vector_store_idx %arg6[%add3A_120], %broadcast_in_dim3A_14 {add = true} : memref<32768xf32, #tpu.memory_space<vmem>>[vector<16xi32>], vector<16xf32>,
      tpu.vector_store_idx %arg7[%add3A_120], %get3A_115 {add = true} : memref<32768xf32, #tpu.memory_space<vmem>>[vector<16xi32>], vector<16xf32>,
      %scan3A_121 = arith.constant 0 : i32
      scf.yield %scan3A_121 : i32
    }
    %scan3A_21 = arith.constant 2048 : i32
    %scan3A_22 = arith.constant 0 : i32
    %scan3A_23 = arith.constant 0 : i32
    %scan3A_24 = arith.constant 128 : i32
    %scan3A_25 = arith.addi %scan3A_23, %scan3A_24 : i32
    %scan3A_26 = arith.constant 1 : i32
    %scan3A_27 = scf.for %scan3A_29 = %scan3A_23 to %scan3A_25 step %scan3A_26 iter_args(%scan3A_30 = %scan3A_22) -> (i32)  : i32 {
      %mul3A_31 = arith.constant 16 : i32
      %mul3A_32 = arith.muli %scan3A_29, %mul3A_31 : i32
      %get3A = arith.index_cast %mul3A_32 : i32 to index
      %get3A_33 = tpu.vector_load %arg6[%get3A] {strides = array<i32>} : memref<32768xf32, #tpu.memory_space<vmem>>, vector<16xf32>,
      %mul3A_34 = arith.constant 16 : i32
      %mul3A_35 = arith.muli %scan3A_29, %mul3A_34 : i32
      %get3A_36 = arith.index_cast %mul3A_35 : i32 to index
      %get3A_37 = tpu.vector_load %arg7[%get3A_36] {strides = array<i32>} : memref<32768xf32, #tpu.memory_space<vmem>>, vector<16xf32>,
      %mul3A_38 = arith.constant 16 : i32
      %mul3A_39 = arith.muli %scan3A_29, %mul3A_38 : i32
      %add3A_40 = arith.constant 2048 : i32
      %add3A_41 = arith.addi %add3A_40, %mul3A_39 : i32
      %get3A_42 = arith.index_cast %add3A_41 : i32 to index
      %get3A_43 = tpu.vector_load %arg6[%get3A_42] {strides = array<i32>} : memref<32768xf32, #tpu.memory_space<vmem>>, vector<16xf32>,
      %add3A_44 = arith.addf %get3A_33, %get3A_43 : vector<16xf32>
      %mul3A_45 = arith.constant 16 : i32
      %mul3A_46 = arith.muli %scan3A_29, %mul3A_45 : i32
      %add3A_47 = arith.constant 2048 : i32
      %add3A_48 = arith.addi %add3A_47, %mul3A_46 : i32
      %get3A_49 = arith.index_cast %add3A_48 : i32 to index
      %get3A_50 = tpu.vector_load %arg7[%get3A_49] {strides = array<i32>} : memref<32768xf32, #tpu.memory_space<vmem>>, vector<16xf32>,
      %add3A_51 = arith.addf %get3A_37, %get3A_50 : vector<16xf32>
      %mul3A_52 = arith.constant 16 : i32
      %mul3A_53 = arith.muli %scan3A_29, %mul3A_52 : i32
      %add3A_54 = arith.constant 4096 : i32
      %add3A_55 = arith.addi %add3A_54, %mul3A_53 : i32
      %get3A_56 = arith.index_cast %add3A_55 : i32 to index
      %get3A_57 = tpu.vector_load %arg6[%get3A_56] {strides = array<i32>} : memref<32768xf32, #tpu.memory_space<vmem>>, vector<16xf32>,
      %add3A_58 = arith.addf %add3A_44, %get3A_57 : vector<16xf32>
      %mul3A_59 = arith.constant 16 : i32
      %mul3A_60 = arith.muli %scan3A_29, %mul3A_59 : i32
      %add3A_61 = arith.constant 4096 : i32
      %add3A_62 = arith.addi %add3A_61, %mul3A_60 : i32
      %get3A_63 = arith.index_cast %add3A_62 : i32 to index
      %get3A_64 = tpu.vector_load %arg7[%get3A_63] {strides = array<i32>} : memref<32768xf32, #tpu.memory_space<vmem>>, vector<16xf32>,
      %add3A_65 = arith.addf %add3A_51, %get3A_64 : vector<16xf32>
      %mul3A_66 = arith.constant 16 : i32
      %mul3A_67 = arith.muli %scan3A_29, %mul3A_66 : i32
      %add3A_68 = arith.constant 6144 : i32
      %add3A_69 = arith.addi %add3A_68, %mul3A_67 : i32
      %get3A_70 = arith.index_cast %add3A_69 : i32 to index
      %get3A_71 = tpu.vector_load %arg6[%get3A_70] {strides = array<i32>} : memref<32768xf32, #tpu.memory_space<vmem>>, vector<16xf32>,
      %add3A_72 = arith.addf %add3A_58, %get3A_71 : vector<16xf32>
      %mul3A_73 = arith.constant 16 : i32
      %mul3A_74 = arith.muli %scan3A_29, %mul3A_73 : i32
      %add3A_75 = arith.constant 6144 : i32
      %add3A_76 = arith.addi %add3A_75, %mul3A_74 : i32
      %get3A_77 = arith.index_cast %add3A_76 : i32 to index
      %get3A_78 = tpu.vector_load %arg7[%get3A_77] {strides = array<i32>} : memref<32768xf32, #tpu.memory_space<vmem>>, vector<16xf32>,
      %add3A_79 = arith.addf %add3A_65, %get3A_78 : vector<16xf32>
      %mul3A_80 = arith.constant 16 : i32
      %mul3A_81 = arith.muli %scan3A_29, %mul3A_80 : i32
      %add3A_82 = arith.constant 8192 : i32
      %add3A_83 = arith.addi %add3A_82, %mul3A_81 : i32
      %get3A_84 = arith.index_cast %add3A_83 : i32 to index
      %get3A_85 = tpu.vector_load %arg6[%get3A_84] {strides = array<i32>} : memref<32768xf32, #tpu.memory_space<vmem>>, vector<16xf32>,
      %add3A_86 = arith.addf %add3A_72, %get3A_85 : vector<16xf32>
      %mul3A_87 = arith.constant 16 : i32
      %mul3A_88 = arith.muli %scan3A_29, %mul3A_87 : i32
      %add3A_89 = arith.constant 8192 : i32
      %add3A_90 = arith.addi %add3A_89, %mul3A_88 : i32
      %get3A_91 = arith.index_cast %add3A_90 : i32 to index
      %get3A_92 = tpu.vector_load %arg7[%get3A_91] {strides = array<i32>} : memref<32768xf32, #tpu.memory_space<vmem>>, vector<16xf32>,
      %add3A_93 = arith.addf %add3A_79, %get3A_92 : vector<16xf32>
      %mul3A_94 = arith.constant 16 : i32
      %mul3A_95 = arith.muli %scan3A_29, %mul3A_94 : i32
      %add3A_96 = arith.constant 10240 : i32
      %add3A_97 = arith.addi %add3A_96, %mul3A_95 : i32
      %get3A_98 = arith.index_cast %add3A_97 : i32 to index
      %get3A_99 = tpu.vector_load %arg6[%get3A_98] {strides = array<i32>} : memref<32768xf32, #tpu.memory_space<vmem>>, vector<16xf32>,
      %add3A_100 = arith.addf %add3A_86, %get3A_99 : vector<16xf32>
      %mul3A_101 = arith.constant 16 : i32
      %mul3A_102 = arith.muli %scan3A_29, %mul3A_101 : i32
      %add3A_103 = arith.constant 10240 : i32
      %add3A_104 = arith.addi %add3A_103, %mul3A_102 : i32
      %get3A_105 = arith.index_cast %add3A_104 : i32 to index
      %get3A_106 = tpu.vector_load %arg7[%get3A_105] {strides = array<i32>} : memref<32768xf32, #tpu.memory_space<vmem>>, vector<16xf32>,
      %add3A_107 = arith.addf %add3A_93, %get3A_106 : vector<16xf32>
      %mul3A_108 = arith.constant 16 : i32
      %mul3A_109 = arith.muli %scan3A_29, %mul3A_108 : i32
      %add3A_110 = arith.constant 12288 : i32
      %add3A_111 = arith.addi %add3A_110, %mul3A_109 : i32
      %get3A_112 = arith.index_cast %add3A_111 : i32 to index
      %get3A_113 = tpu.vector_load %arg6[%get3A_112] {strides = array<i32>} : memref<32768xf32, #tpu.memory_space<vmem>>, vector<16xf32>,
      %add3A_114 = arith.addf %add3A_100, %get3A_113 : vector<16xf32>
      %mul3A_115 = arith.constant 16 : i32
      %mul3A_116 = arith.muli %scan3A_29, %mul3A_115 : i32
      %add3A_117 = arith.constant 12288 : i32
      %add3A_118 = arith.addi %add3A_117, %mul3A_116 : i32
      %get3A_119 = arith.index_cast %add3A_118 : i32 to index
      %get3A_120 = tpu.vector_load %arg7[%get3A_119] {strides = array<i32>} : memref<32768xf32, #tpu.memory_space<vmem>>, vector<16xf32>,
      %add3A_121 = arith.addf %add3A_107, %get3A_120 : vector<16xf32>
      %mul3A_122 = arith.constant 16 : i32
      %mul3A_123 = arith.muli %scan3A_29, %mul3A_122 : i32
      %add3A_124 = arith.constant 14336 : i32
      %add3A_125 = arith.addi %add3A_124, %mul3A_123 : i32
      %get3A_126 = arith.index_cast %add3A_125 : i32 to index
      %get3A_127 = tpu.vector_load %arg6[%get3A_126] {strides = array<i32>} : memref<32768xf32, #tpu.memory_space<vmem>>, vector<16xf32>,
      %add3A_128 = arith.addf %add3A_114, %get3A_127 : vector<16xf32>
      %mul3A_129 = arith.constant 16 : i32
      %mul3A_130 = arith.muli %scan3A_29, %mul3A_129 : i32
      %add3A_131 = arith.constant 14336 : i32
      %add3A_132 = arith.addi %add3A_131, %mul3A_130 : i32
      %get3A_133 = arith.index_cast %add3A_132 : i32 to index
      %get3A_134 = tpu.vector_load %arg7[%get3A_133] {strides = array<i32>} : memref<32768xf32, #tpu.memory_space<vmem>>, vector<16xf32>,
      %add3A_135 = arith.addf %add3A_121, %get3A_134 : vector<16xf32>
      %mul3A_136 = arith.constant 16 : i32
      %mul3A_137 = arith.muli %scan3A_29, %mul3A_136 : i32
      %add3A_138 = arith.constant 16384 : i32
      %add3A_139 = arith.addi %add3A_138, %mul3A_137 : i32
      %get3A_140 = arith.index_cast %add3A_139 : i32 to index
      %get3A_141 = tpu.vector_load %arg6[%get3A_140] {strides = array<i32>} : memref<32768xf32, #tpu.memory_space<vmem>>, vector<16xf32>,
      %add3A_142 = arith.addf %add3A_128, %get3A_141 : vector<16xf32>
      %mul3A_143 = arith.constant 16 : i32
      %mul3A_144 = arith.muli %scan3A_29, %mul3A_143 : i32
      %add3A_145 = arith.constant 16384 : i32
      %add3A_146 = arith.addi %add3A_145, %mul3A_144 : i32
      %get3A_147 = arith.index_cast %add3A_146 : i32 to index
      %get3A_148 = tpu.vector_load %arg7[%get3A_147] {strides = array<i32>} : memref<32768xf32, #tpu.memory_space<vmem>>, vector<16xf32>,
      %add3A_149 = arith.addf %add3A_135, %get3A_148 : vector<16xf32>
      %mul3A_150 = arith.constant 16 : i32
      %mul3A_151 = arith.muli %scan3A_29, %mul3A_150 : i32
      %add3A_152 = arith.constant 18432 : i32
      %add3A_153 = arith.addi %add3A_152, %mul3A_151 : i32
      %get3A_154 = arith.index_cast %add3A_153 : i32 to index
      %get3A_155 = tpu.vector_load %arg6[%get3A_154] {strides = array<i32>} : memref<32768xf32, #tpu.memory_space<vmem>>, vector<16xf32>,
      %add3A_156 = arith.addf %add3A_142, %get3A_155 : vector<16xf32>
      %mul3A_157 = arith.constant 16 : i32
      %mul3A_158 = arith.muli %scan3A_29, %mul3A_157 : i32
      %add3A_159 = arith.constant 18432 : i32
      %add3A_160 = arith.addi %add3A_159, %mul3A_158 : i32
      %get3A_161 = arith.index_cast %add3A_160 : i32 to index
      %get3A_162 = tpu.vector_load %arg7[%get3A_161] {strides = array<i32>} : memref<32768xf32, #tpu.memory_space<vmem>>, vector<16xf32>,
      %add3A_163 = arith.addf %add3A_149, %get3A_162 : vector<16xf32>
      %mul3A_164 = arith.constant 16 : i32
      %mul3A_165 = arith.muli %scan3A_29, %mul3A_164 : i32
      %add3A_166 = arith.constant 20480 : i32
      %add3A_167 = arith.addi %add3A_166, %mul3A_165 : i32
      %get3A_168 = arith.index_cast %add3A_167 : i32 to index
      %get3A_169 = tpu.vector_load %arg6[%get3A_168] {strides = array<i32>} : memref<32768xf32, #tpu.memory_space<vmem>>, vector<16xf32>,
      %add3A_170 = arith.addf %add3A_156, %get3A_169 : vector<16xf32>
      %mul3A_171 = arith.constant 16 : i32
      %mul3A_172 = arith.muli %scan3A_29, %mul3A_171 : i32
      %add3A_173 = arith.constant 20480 : i32
      %add3A_174 = arith.addi %add3A_173, %mul3A_172 : i32
      %get3A_175 = arith.index_cast %add3A_174 : i32 to index
      %get3A_176 = tpu.vector_load %arg7[%get3A_175] {strides = array<i32>} : memref<32768xf32, #tpu.memory_space<vmem>>, vector<16xf32>,
      %add3A_177 = arith.addf %add3A_163, %get3A_176 : vector<16xf32>
      %mul3A_178 = arith.constant 16 : i32
      %mul3A_179 = arith.muli %scan3A_29, %mul3A_178 : i32
      %add3A_180 = arith.constant 22528 : i32
      %add3A_181 = arith.addi %add3A_180, %mul3A_179 : i32
      %get3A_182 = arith.index_cast %add3A_181 : i32 to index
      %get3A_183 = tpu.vector_load %arg6[%get3A_182] {strides = array<i32>} : memref<32768xf32, #tpu.memory_space<vmem>>, vector<16xf32>,
      %add3A_184 = arith.addf %add3A_170, %get3A_183 : vector<16xf32>
      %mul3A_185 = arith.constant 16 : i32
      %mul3A_186 = arith.muli %scan3A_29, %mul3A_185 : i32
      %add3A_187 = arith.constant 22528 : i32
      %add3A_188 = arith.addi %add3A_187, %mul3A_186 : i32
      %get3A_189 = arith.index_cast %add3A_188 : i32 to index
      %get3A_190 = tpu.vector_load %arg7[%get3A_189] {strides = array<i32>} : memref<32768xf32, #tpu.memory_space<vmem>>, vector<16xf32>,
      %add3A_191 = arith.addf %add3A_177, %get3A_190 : vector<16xf32>
      %mul3A_192 = arith.constant 16 : i32
      %mul3A_193 = arith.muli %scan3A_29, %mul3A_192 : i32
      %add3A_194 = arith.constant 24576 : i32
      %add3A_195 = arith.addi %add3A_194, %mul3A_193 : i32
      %get3A_196 = arith.index_cast %add3A_195 : i32 to index
      %get3A_197 = tpu.vector_load %arg6[%get3A_196] {strides = array<i32>} : memref<32768xf32, #tpu.memory_space<vmem>>, vector<16xf32>,
      %add3A_198 = arith.addf %add3A_184, %get3A_197 : vector<16xf32>
      %mul3A_199 = arith.constant 16 : i32
      %mul3A_200 = arith.muli %scan3A_29, %mul3A_199 : i32
      %add3A_201 = arith.constant 24576 : i32
      %add3A_202 = arith.addi %add3A_201, %mul3A_200 : i32
      %get3A_203 = arith.index_cast %add3A_202 : i32 to index
      %get3A_204 = tpu.vector_load %arg7[%get3A_203] {strides = array<i32>} : memref<32768xf32, #tpu.memory_space<vmem>>, vector<16xf32>,
      %add3A_205 = arith.addf %add3A_191, %get3A_204 : vector<16xf32>
      %mul3A_206 = arith.constant 16 : i32
      %mul3A_207 = arith.muli %scan3A_29, %mul3A_206 : i32
      %add3A_208 = arith.constant 26624 : i32
      %add3A_209 = arith.addi %add3A_208, %mul3A_207 : i32
      %get3A_210 = arith.index_cast %add3A_209 : i32 to index
      %get3A_211 = tpu.vector_load %arg6[%get3A_210] {strides = array<i32>} : memref<32768xf32, #tpu.memory_space<vmem>>, vector<16xf32>,
      %add3A_212 = arith.addf %add3A_198, %get3A_211 : vector<16xf32>
      %mul3A_213 = arith.constant 16 : i32
      %mul3A_214 = arith.muli %scan3A_29, %mul3A_213 : i32
      %add3A_215 = arith.constant 26624 : i32
      %add3A_216 = arith.addi %add3A_215, %mul3A_214 : i32
      %get3A_217 = arith.index_cast %add3A_216 : i32 to index
      %get3A_218 = tpu.vector_load %arg7[%get3A_217] {strides = array<i32>} : memref<32768xf32, #tpu.memory_space<vmem>>, vector<16xf32>,
      %add3A_219 = arith.addf %add3A_205, %get3A_218 : vector<16xf32>
      %mul3A_220 = arith.constant 16 : i32
      %mul3A_221 = arith.muli %scan3A_29, %mul3A_220 : i32
      %add3A_222 = arith.constant 28672 : i32
      %add3A_223 = arith.addi %add3A_222, %mul3A_221 : i32
      %get3A_224 = arith.index_cast %add3A_223 : i32 to index
      %get3A_225 = tpu.vector_load %arg6[%get3A_224] {strides = array<i32>} : memref<32768xf32, #tpu.memory_space<vmem>>, vector<16xf32>,
      %add3A_226 = arith.addf %add3A_212, %get3A_225 : vector<16xf32>
      %mul3A_227 = arith.constant 16 : i32
      %mul3A_228 = arith.muli %scan3A_29, %mul3A_227 : i32
      %add3A_229 = arith.constant 28672 : i32
      %add3A_230 = arith.addi %add3A_229, %mul3A_228 : i32
      %get3A_231 = arith.index_cast %add3A_230 : i32 to index
      %get3A_232 = tpu.vector_load %arg7[%get3A_231] {strides = array<i32>} : memref<32768xf32, #tpu.memory_space<vmem>>, vector<16xf32>,
      %add3A_233 = arith.addf %add3A_219, %get3A_232 : vector<16xf32>
      %mul3A_234 = arith.constant 16 : i32
      %mul3A_235 = arith.muli %scan3A_29, %mul3A_234 : i32
      %add3A_236 = arith.constant 30720 : i32
      %add3A_237 = arith.addi %add3A_236, %mul3A_235 : i32
      %get3A_238 = arith.index_cast %add3A_237 : i32 to index
      %get3A_239 = tpu.vector_load %arg6[%get3A_238] {strides = array<i32>} : memref<32768xf32, #tpu.memory_space<vmem>>, vector<16xf32>,
      %add3A_240 = arith.addf %add3A_226, %get3A_239 : vector<16xf32>
      %mul3A_241 = arith.constant 16 : i32
      %mul3A_242 = arith.muli %scan3A_29, %mul3A_241 : i32
      %add3A_243 = arith.constant 30720 : i32
      %add3A_244 = arith.addi %add3A_243, %mul3A_242 : i32
      %get3A_245 = arith.index_cast %add3A_244 : i32 to index
      %get3A_246 = tpu.vector_load %arg7[%get3A_245] {strides = array<i32>} : memref<32768xf32, #tpu.memory_space<vmem>>, vector<16xf32>,
      %add3A_247 = arith.addf %add3A_233, %get3A_246 : vector<16xf32>
      %mul3A_248 = arith.constant 16 : i32
      %mul3A_249 = arith.muli %scan3A_29, %mul3A_248 : i32
      %swap3A = arith.index_cast %mul3A_249 : i32 to index
      %swap3A_250 = tpu.vector_load %arg8[%swap3A] {strides = array<i32>} : memref<2048xf32, #tpu.memory_space<vmem>>, vector<16xf32>,
      tpu.vector_store %arg8[%swap3A], %add3A_240 {strides = array<i32>} : memref<2048xf32, #tpu.memory_space<vmem>>, vector<16xf32>,
      %mul3A_251 = arith.constant 16 : i32
      %mul3A_252 = arith.muli %scan3A_29, %mul3A_251 : i32
      %swap3A_253 = arith.index_cast %mul3A_252 : i32 to index
      %swap3A_254 = tpu.vector_load %arg9[%swap3A_253] {strides = array<i32>} : memref<2048xf32, #tpu.memory_space<vmem>>, vector<16xf32>,
      tpu.vector_store %arg9[%swap3A_253], %add3A_247 {strides = array<i32>} : memref<2048xf32, #tpu.memory_space<vmem>>, vector<16xf32>,
      %scan3A_255 = arith.constant 0 : i32
      scf.yield %scan3A_255 : i32
    }
    %scan3A_28 = arith.constant 128 : i32
    "tpu.region"() ({
      %run_scoped3A = tpu.sem_alloc : memref<!tpu.dma_semaphore, #tpu.memory_space<semaphore_mem>>
      %dma_start3A = arith.constant 0 : i32
      %dma_start3A_29 = tpu.memref_slice %arg3[%add3A, %dma_start3A] : memref<32x2048xf32, #tpu.memory_space<hbm>> -> memref<1x2048xf32, #tpu.memory_space<hbm>>
      %dma_start3A_30 = tpu.memref_squeeze %dma_start3A_29 : memref<1x2048xf32, #tpu.memory_space<hbm>> -> memref<2048xf32, #tpu.memory_space<hbm>>
      %dma_start3A_31 = arith.constant 0 : i32
      %dma_start3A_32 = tpu.memref_slice %arg3[%add3A, %dma_start3A_31] : memref<32x2048xf32, #tpu.memory_space<hbm>> -> memref<1x2048xf32, #tpu.memory_space<hbm>>
      %dma_start3A_33 = tpu.memref_squeeze %dma_start3A_32 : memref<1x2048xf32, #tpu.memory_space<hbm>> -> memref<2048xf32, #tpu.memory_space<hbm>>
      tpu.enqueue_dma source(%arg8 : memref<2048xf32, #tpu.memory_space<vmem>>) target(%dma_start3A_33 : memref<2048xf32, #tpu.memory_space<hbm>>) target_semaphore(%run_scoped3A : memref<!tpu.dma_semaphore, #tpu.memory_space<semaphore_mem>>)
      %dma_wait3A = arith.constant 0 : i32
      %dma_wait3A_34 = tpu.memref_slice %arg3[%add3A, %dma_wait3A] : memref<32x2048xf32, #tpu.memory_space<hbm>> -> memref<1x2048xf32, #tpu.memory_space<hbm>>
      %dma_wait3A_35 = tpu.memref_squeeze %dma_wait3A_34 : memref<1x2048xf32, #tpu.memory_space<hbm>> -> memref<2048xf32, #tpu.memory_space<hbm>>
      %dma_wait3A_36 = arith.constant 0 : i32
      %dma_wait3A_37 = tpu.memref_slice %arg3[%add3A, %dma_wait3A_36] : memref<32x2048xf32, #tpu.memory_space<hbm>> -> memref<1x2048xf32, #tpu.memory_space<hbm>>
      %dma_wait3A_38 = tpu.memref_squeeze %dma_wait3A_37 : memref<1x2048xf32, #tpu.memory_space<hbm>> -> memref<2048xf32, #tpu.memory_space<hbm>>
      tpu.wait_dma2 semaphore(%run_scoped3A : memref<!tpu.dma_semaphore, #tpu.memory_space<semaphore_mem>>) src(%arg8 : memref<2048xf32, #tpu.memory_space<vmem>>) dst(%dma_wait3A_38 : memref<2048xf32, #tpu.memory_space<hbm>>)
      tpu.yield
    }) : () -> ()
    "tpu.region"() ({
      %run_scoped3A = tpu.sem_alloc : memref<!tpu.dma_semaphore, #tpu.memory_space<semaphore_mem>>
      %dma_start3A = arith.constant 0 : i32
      %dma_start3A_29 = tpu.memref_slice %arg4[%add3A, %dma_start3A] : memref<32x2048xf32, #tpu.memory_space<hbm>> -> memref<1x2048xf32, #tpu.memory_space<hbm>>
      %dma_start3A_30 = tpu.memref_squeeze %dma_start3A_29 : memref<1x2048xf32, #tpu.memory_space<hbm>> -> memref<2048xf32, #tpu.memory_space<hbm>>
      %dma_start3A_31 = arith.constant 0 : i32
      %dma_start3A_32 = tpu.memref_slice %arg4[%add3A, %dma_start3A_31] : memref<32x2048xf32, #tpu.memory_space<hbm>> -> memref<1x2048xf32, #tpu.memory_space<hbm>>
      %dma_start3A_33 = tpu.memref_squeeze %dma_start3A_32 : memref<1x2048xf32, #tpu.memory_space<hbm>> -> memref<2048xf32, #tpu.memory_space<hbm>>
      tpu.enqueue_dma source(%arg9 : memref<2048xf32, #tpu.memory_space<vmem>>) target(%dma_start3A_33 : memref<2048xf32, #tpu.memory_space<hbm>>) target_semaphore(%run_scoped3A : memref<!tpu.dma_semaphore, #tpu.memory_space<semaphore_mem>>)
      %dma_wait3A = arith.constant 0 : i32
      %dma_wait3A_34 = tpu.memref_slice %arg4[%add3A, %dma_wait3A] : memref<32x2048xf32, #tpu.memory_space<hbm>> -> memref<1x2048xf32, #tpu.memory_space<hbm>>
      %dma_wait3A_35 = tpu.memref_squeeze %dma_wait3A_34 : memref<1x2048xf32, #tpu.memory_space<hbm>> -> memref<2048xf32, #tpu.memory_space<hbm>>
      %dma_wait3A_36 = arith.constant 0 : i32
      %dma_wait3A_37 = tpu.memref_slice %arg4[%add3A, %dma_wait3A_36] : memref<32x2048xf32, #tpu.memory_space<hbm>> -> memref<1x2048xf32, #tpu.memory_space<hbm>>
      %dma_wait3A_38 = tpu.memref_squeeze %dma_wait3A_37 : memref<1x2048xf32, #tpu.memory_space<hbm>> -> memref<2048xf32, #tpu.memory_space<hbm>>
      tpu.wait_dma2 semaphore(%run_scoped3A : memref<!tpu.dma_semaphore, #tpu.memory_space<semaphore_mem>>) src(%arg9 : memref<2048xf32, #tpu.memory_space<vmem>>) dst(%dma_wait3A_38 : memref<2048xf32, #tpu.memory_space<hbm>>)
      tpu.yield
    }) : () -> ()
    return
  }
}

module attributes {stable_mosaic.version = 14 : i64} {
  func.func @_finish_body(%arg0: memref<32x2048xf32, #tpu.memory_space<vmem>>, %arg1: memref<32x2048xf32, #tpu.memory_space<vmem>>, %arg2: memref<1x1xf32, #tpu.memory_space<smem>>, %arg3: memref<1x1xf32, #tpu.memory_space<smem>>) attributes {dimension_semantics = [], scalar_prefetch = 0 : i64, scratch_operands = 0 : i64, tpu.core_type = #tpu.core_type<tc>} {
    %get3A = arith.constant 0 : index
    %get3A_0 = arith.constant 0 : index
    %get3A_1 = vector.load %arg0[%get3A, %get3A_0] : memref<32x2048xf32, #tpu.memory_space<vmem>>, vector<32x2048xf32>
    %reshape3A = vector.shape_cast %get3A_1 : vector<32x2048xf32> to vector<32x16x128xf32>
    %reduce_sum3A = arith.constant dense<0.000000e+00> : vector<16x128xf32>
    %reduce_sum3A_2 = vector.multi_reduction <add>, %reshape3A, %reduce_sum3A [0] : vector<32x16x128xf32> to vector<16x128xf32>
    %get3A_3 = arith.constant 0 : index
    %get3A_4 = arith.constant 0 : index
    %get3A_5 = vector.load %arg1[%get3A_3, %get3A_4] : memref<32x2048xf32, #tpu.memory_space<vmem>>, vector<32x2048xf32>
    %reshape3A_6 = vector.shape_cast %get3A_5 : vector<32x2048xf32> to vector<32x16x128xf32>
    %reduce_sum3A_7 = arith.constant dense<0.000000e+00> : vector<16x128xf32>
    %reduce_sum3A_8 = vector.multi_reduction <add>, %reshape3A_6, %reduce_sum3A_7 [0] : vector<32x16x128xf32> to vector<16x128xf32>
    %iota3A = tpu.iota {dimensions = array<i32: 0>} : vector<16x128xi32>
    %mul3A = arith.constant 128 : i32
    %mul3A_9 = vector.broadcast %mul3A : i32 to vector<16x128xi32>
    %mul3A_10 = arith.muli %iota3A, %mul3A_9 : vector<16x128xi32>
    %iota3A_11 = tpu.iota {dimensions = array<i32: 1>} : vector<16x128xi32>
    %add3A = arith.addi %mul3A_10, %iota3A_11 : vector<16x128xi32>
    %scan3A = arith.constant 3.145720e+05 : f32
    %scan3A_12 = arith.constant 0 : i32
    %scan3A_13 = arith.constant 2048 : i32
    %scan3A_14 = arith.constant 0 : i32
    %scan3A_15 = arith.constant 11 : i32
    %scan3A_16 = arith.addi %scan3A_14, %scan3A_15 : i32
    %scan3A_17 = arith.constant 1 : i32
    %scan3A_18:2 = scf.for %scan3A_75 = %scan3A_14 to %scan3A_16 step %scan3A_17 iter_args(%scan3A_76 = %scan3A_12, %scan3A_77 = %scan3A_13) -> (i32, i32)  : i32 {
      %add3A_78 = arith.addi %scan3A_76, %scan3A_77 : i32
      %jit3A_79 = arith.constant 2 : i32
      %div3A_80 = arith.divsi %add3A_78, %jit3A_79 : i32
      %sign3A = arith.constant 0 : i32
      %sign3A_81 = arith.cmpi sgt, %add3A_78, %sign3A : i32
      %sign3A_82 = arith.extui %sign3A_81 : i1 to i32
      %sign3A_83 = arith.constant 0 : i32
      %sign3A_84 = arith.cmpi slt, %add3A_78, %sign3A_83 : i32
      %sign3A_85 = arith.extui %sign3A_84 : i1 to i32
      %sign3A_86 = arith.subi %sign3A_82, %sign3A_85 : i32
      %sign3A_87 = arith.constant 0 : i32
      %sign3A_88 = arith.cmpi sgt, %jit3A_79, %sign3A_87 : i32
      %sign3A_89 = arith.extui %sign3A_88 : i1 to i32
      %sign3A_90 = arith.constant 0 : i32
      %sign3A_91 = arith.cmpi slt, %jit3A_79, %sign3A_90 : i32
      %sign3A_92 = arith.extui %sign3A_91 : i1 to i32
      %sign3A_93 = arith.subi %sign3A_89, %sign3A_92 : i32
      %ne3A = arith.cmpi ne, %sign3A_86, %sign3A_93 : i32
      %rem3A = arith.remsi %add3A_78, %jit3A_79 : i32
      %ne3A_94 = arith.constant 0 : i32
      %ne3A_95 = arith.cmpi ne, %rem3A, %ne3A_94 : i32
      %and3A = arith.andi %ne3A, %ne3A_95 : i1
      %sub3A_96 = arith.constant 1 : i32
      %sub3A_97 = arith.subi %div3A_80, %sub3A_96 : i32
      %select_n3A_98 = arith.select %and3A, %sub3A_97, %div3A_80 : i32
      %ge3A = vector.broadcast %select_n3A_98 : i32 to vector<16x128xi32>
      %ge3A_99 = arith.cmpi sge, %add3A, %ge3A : vector<16x128xi32>
      %jit3A_100 = arith.constant 0.000000e+00 : f32
      %broadcast_in_dim3A_101 = vector.broadcast %jit3A_100 : f32 to vector<16x128xf32>
      %select_n3A_102 = arith.select %ge3A_99, %reduce_sum3A_2, %broadcast_in_dim3A_101 : vector<16x128xi1>, vector<16x128xf32>
      %reduce_sum3A_103 = vector.shape_cast %select_n3A_102 : vector<16x128xf32> to vector<1x16x128xf32>
      %reduce_sum3A_104 = arith.constant dense<0.000000e+00> : vector<1xf32>
      %reduce_sum3A_105 = vector.multi_reduction <add>, %reduce_sum3A_103, %reduce_sum3A_104 [1, 2] : vector<1x16x128xf32> to vector<1xf32>
      %reduce_sum3A_106 = vector.shape_cast %reduce_sum3A_105 : vector<1xf32> to vector<1x1x1xf32>
      %reduce_sum3A_107 = vector.extract %reduce_sum3A_106[0, 0, 0] : f32 from vector<1x1x1xf32>
      %ge3A_108 = arith.cmpf oge, %reduce_sum3A_107, %scan3A : f32
      %select_n3A_109 = arith.select %ge3A_108, %select_n3A_98, %scan3A_76 : i32
      %select_n3A_110 = arith.select %ge3A_108, %scan3A_77, %select_n3A_98 : i32
      scf.yield %select_n3A_109, %select_n3A_110 : i32, i32
    }
    %gt3A = vector.broadcast %scan3A_18#0 : i32 to vector<16x128xi32>
    %gt3A_19 = arith.cmpi sgt, %add3A, %gt3A : vector<16x128xi32>
    %jit3A = arith.constant 0.000000e+00 : f32
    %broadcast_in_dim3A = vector.broadcast %jit3A : f32 to vector<16x128xf32>
    %select_n3A = arith.select %gt3A_19, %reduce_sum3A_2, %broadcast_in_dim3A : vector<16x128xi1>, vector<16x128xf32>
    %reduce_sum3A_20 = vector.shape_cast %select_n3A : vector<16x128xf32> to vector<1x16x128xf32>
    %reduce_sum3A_21 = arith.constant dense<0.000000e+00> : vector<1xf32>
    %reduce_sum3A_22 = vector.multi_reduction <add>, %reduce_sum3A_20, %reduce_sum3A_21 [1, 2] : vector<1x16x128xf32> to vector<1xf32>
    %reduce_sum3A_23 = vector.shape_cast %reduce_sum3A_22 : vector<1xf32> to vector<1x1x1xf32>
    %reduce_sum3A_24 = vector.extract %reduce_sum3A_23[0, 0, 0] : f32 from vector<1x1x1xf32>
    %gt3A_25 = vector.broadcast %scan3A_18#0 : i32 to vector<16x128xi32>
    %gt3A_26 = arith.cmpi sgt, %add3A, %gt3A_25 : vector<16x128xi32>
    %jit3A_27 = arith.constant 0.000000e+00 : f32
    %broadcast_in_dim3A_28 = vector.broadcast %jit3A_27 : f32 to vector<16x128xf32>
    %select_n3A_29 = arith.select %gt3A_26, %reduce_sum3A_8, %broadcast_in_dim3A_28 : vector<16x128xi1>, vector<16x128xf32>
    %reduce_sum3A_30 = vector.shape_cast %select_n3A_29 : vector<16x128xf32> to vector<1x16x128xf32>
    %reduce_sum3A_31 = arith.constant dense<0.000000e+00> : vector<1xf32>
    %reduce_sum3A_32 = vector.multi_reduction <add>, %reduce_sum3A_30, %reduce_sum3A_31 [1, 2] : vector<1x16x128xf32> to vector<1xf32>
    %reduce_sum3A_33 = vector.shape_cast %reduce_sum3A_32 : vector<1xf32> to vector<1x1x1xf32>
    %reduce_sum3A_34 = vector.extract %reduce_sum3A_33[0, 0, 0] : f32 from vector<1x1x1xf32>
    %eq3A = vector.broadcast %scan3A_18#0 : i32 to vector<16x128xi32>
    %eq3A_35 = arith.cmpi eq, %add3A, %eq3A : vector<16x128xi32>
    %jit3A_36 = arith.constant 0.000000e+00 : f32
    %broadcast_in_dim3A_37 = vector.broadcast %jit3A_36 : f32 to vector<16x128xf32>
    %select_n3A_38 = arith.select %eq3A_35, %reduce_sum3A_2, %broadcast_in_dim3A_37 : vector<16x128xi1>, vector<16x128xf32>
    %reduce_sum3A_39 = vector.shape_cast %select_n3A_38 : vector<16x128xf32> to vector<1x16x128xf32>
    %reduce_sum3A_40 = arith.constant dense<0.000000e+00> : vector<1xf32>
    %reduce_sum3A_41 = vector.multi_reduction <add>, %reduce_sum3A_39, %reduce_sum3A_40 [1, 2] : vector<1x16x128xf32> to vector<1xf32>
    %reduce_sum3A_42 = vector.shape_cast %reduce_sum3A_41 : vector<1xf32> to vector<1x1x1xf32>
    %reduce_sum3A_43 = vector.extract %reduce_sum3A_42[0, 0, 0] : f32 from vector<1x1x1xf32>
    %shift_left3A = arith.constant 20 : i32
    %shift_left3A_44 = arith.shli %scan3A_18#0, %shift_left3A : i32
    %bitcast_convert_type3A = arith.bitcast %shift_left3A_44 : i32 to f32
    %add3A_45 = arith.constant 1 : i32
    %add3A_46 = arith.addi %scan3A_18#0, %add3A_45 : i32
    %shift_left3A_47 = arith.constant 20 : i32
    %shift_left3A_48 = arith.shli %add3A_46, %shift_left3A_47 : i32
    %bitcast_convert_type3A_49 = arith.bitcast %shift_left3A_48 : i32 to f32
    %sub3A = arith.subf %bitcast_convert_type3A_49, %bitcast_convert_type3A : f32
    %sub3A_50 = arith.constant 3.145720e+05 : f32
    %sub3A_51 = arith.subf %sub3A_50, %reduce_sum3A_24 : f32
    %max3A = arith.constant 1.000000e+00 : f32
    %max3A_52 = arith.maximumf %reduce_sum3A_43, %max3A : f32
    %div3A = arith.divf %sub3A_51, %max3A_52 : f32
    %mul3A_53 = arith.constant 5.000000e-01 : f32
    %mul3A_54 = arith.mulf %mul3A_53, %div3A : f32
    %sub3A_55 = arith.constant 1.000000e+00 : f32
    %sub3A_56 = arith.subf %sub3A_55, %mul3A_54 : f32
    %mul3A_57 = arith.mulf %sub3A, %sub3A_56 : f32
    %add3A_58 = arith.addf %bitcast_convert_type3A, %mul3A_57 : f32
    %mul3A_59 = arith.mulf %sub3A_51, %add3A_58 : f32
    %gt3A_60 = arith.constant 0.000000e+00 : f32
    %gt3A_61 = arith.cmpf ogt, %reduce_sum3A_43, %gt3A_60 : f32
    %jit3A_62 = arith.constant 0.000000e+00 : f32
    %select_n3A_63 = arith.select %gt3A_61, %mul3A_59, %jit3A_62 : f32
    %add3A_64 = arith.addf %reduce_sum3A_34, %select_n3A_63 : f32
    %get3A_65 = arith.constant 0 : index
    %get3A_66 = arith.constant 0 : index
    %get3A_67 = memref.load %arg2[%get3A_65, %get3A_66] : memref<1x1xf32, #tpu.memory_space<smem>>
    %div3A_68 = arith.constant 0x49800000 : f32
    %div3A_69 = arith.divf %get3A_67, %div3A_68 : f32
    %div3A_70 = arith.constant 3.145720e+05 : f32
    %div3A_71 = arith.divf %add3A_64, %div3A_70 : f32
    %add3A_72 = arith.addf %div3A_69, %div3A_71 : f32
    %swap3A = arith.constant 0 : index
    %swap3A_73 = arith.constant 0 : index
    %swap3A_74 = memref.load %arg3[%swap3A, %swap3A_73] : memref<1x1xf32, #tpu.memory_space<smem>>
    memref.store %add3A_72, %arg3[%swap3A, %swap3A_73] : memref<1x1xf32, #tpu.memory_space<smem>>
    return
  }
}

module attributes {stable_mosaic.version = 14 : i64} {
  func.func @_nll_body(%arg0: i32, %arg1: i32, %arg2: memref<1x19x64x512xf32, #tpu.memory_space<vmem>>, %arg3: memref<1x64x512xi32, #tpu.memory_space<vmem>>, %arg4: memref<64x512xf32, #tpu.memory_space<vmem>>, %arg5: memref<1x1xf32, #tpu.memory_space<smem>>, %arg6: memref<1xf32, #tpu.memory_space<smem>>) attributes {dimension_semantics = [#tpu.dimension_semantics<arbitrary>, #tpu.dimension_semantics<arbitrary>], iteration_bounds = array<i64: 4, 8>, scalar_prefetch = 0 : i64, scratch_operands = 1 : i64, tpu.core_type = #tpu.core_type<tc>, window_params = [{transform_indices = @transform_0, window_bounds = array<i64: 1, 19, 64, 512>}, {transform_indices = @transform_1, window_bounds = array<i64: 1, 64, 512>}, {transform_indices = @transform_2, window_bounds = array<i64: 64, 512>}, {transform_indices = @transform_3, window_bounds = array<i64: 1, 1>}]} {
    %mul3A = arith.constant 8 : i32
    %mul3A_0 = arith.muli %arg0, %mul3A : i32
    %add3A = arith.addi %mul3A_0, %arg1 : i32
    %get3A = arith.constant 0 : index
    %get3A_1 = arith.constant 0 : index
    %get3A_2 = arith.constant 0 : index
    %get3A_3 = vector.load %arg3[%get3A, %get3A_1, %get3A_2] : memref<1x64x512xi32, #tpu.memory_space<vmem>>, vector<1x64x512xi32>
    %get3A_4 = vector.shape_cast %get3A_3 : vector<1x64x512xi32> to vector<64x512xi32>
    %broadcast_in_dim3A = arith.constant 0.000000e+00 : f32
    %broadcast_in_dim3A_5 = vector.broadcast %broadcast_in_dim3A : f32 to vector<64x512xf32>
    %broadcast_in_dim3A_6 = arith.constant 0.000000e+00 : f32
    %broadcast_in_dim3A_7 = vector.broadcast %broadcast_in_dim3A_6 : f32 to vector<64x512xf32>
    %get3A_8 = arith.constant 0 : index
    %get3A_9 = arith.constant 0 : index
    %get3A_10 = arith.constant 0 : index
    %get3A_11 = arith.constant 0 : index
    %get3A_12 = vector.load %arg2[%get3A_8, %get3A_9, %get3A_10, %get3A_11] : memref<1x19x64x512xf32, #tpu.memory_space<vmem>>, vector<1x1x64x512xf32>
    %get3A_13 = vector.shape_cast %get3A_12 : vector<1x1x64x512xf32> to vector<64x512xf32>
    %exp3A = math.exp %get3A_13 : vector<64x512xf32>
    %add3A_14 = arith.addf %broadcast_in_dim3A_5, %exp3A : vector<64x512xf32>
    %eq3A = arith.constant 0 : i32
    %eq3A_15 = vector.broadcast %eq3A : i32 to vector<64x512xi32>
    %eq3A_16 = arith.cmpi eq, %get3A_4, %eq3A_15 : vector<64x512xi32>
    %jit3A = arith.constant 0.000000e+00 : f32
    %broadcast_in_dim3A_17 = vector.broadcast %jit3A : f32 to vector<64x512xf32>
    %select_n3A = arith.select %eq3A_16, %get3A_13, %broadcast_in_dim3A_17 : vector<64x512xi1>, vector<64x512xf32>
    %add3A_18 = arith.addf %broadcast_in_dim3A_7, %select_n3A : vector<64x512xf32>
    %get3A_19 = arith.constant 0 : index
    %get3A_20 = arith.constant 1 : index
    %get3A_21 = arith.constant 0 : index
    %get3A_22 = arith.constant 0 : index
    %get3A_23 = vector.load %arg2[%get3A_19, %get3A_20, %get3A_21, %get3A_22] : memref<1x19x64x512xf32, #tpu.memory_space<vmem>>, vector<1x1x64x512xf32>
    %get3A_24 = vector.shape_cast %get3A_23 : vector<1x1x64x512xf32> to vector<64x512xf32>
    %exp3A_25 = math.exp %get3A_24 : vector<64x512xf32>
    %add3A_26 = arith.addf %add3A_14, %exp3A_25 : vector<64x512xf32>
    %eq3A_27 = arith.constant 1 : i32
    %eq3A_28 = vector.broadcast %eq3A_27 : i32 to vector<64x512xi32>
    %eq3A_29 = arith.cmpi eq, %get3A_4, %eq3A_28 : vector<64x512xi32>
    %jit3A_30 = arith.constant 0.000000e+00 : f32
    %broadcast_in_dim3A_31 = vector.broadcast %jit3A_30 : f32 to vector<64x512xf32>
    %select_n3A_32 = arith.select %eq3A_29, %get3A_24, %broadcast_in_dim3A_31 : vector<64x512xi1>, vector<64x512xf32>
    %add3A_33 = arith.addf %add3A_18, %select_n3A_32 : vector<64x512xf32>
    %get3A_34 = arith.constant 0 : index
    %get3A_35 = arith.constant 2 : index
    %get3A_36 = arith.constant 0 : index
    %get3A_37 = arith.constant 0 : index
    %get3A_38 = vector.load %arg2[%get3A_34, %get3A_35, %get3A_36, %get3A_37] : memref<1x19x64x512xf32, #tpu.memory_space<vmem>>, vector<1x1x64x512xf32>
    %get3A_39 = vector.shape_cast %get3A_38 : vector<1x1x64x512xf32> to vector<64x512xf32>
    %exp3A_40 = math.exp %get3A_39 : vector<64x512xf32>
    %add3A_41 = arith.addf %add3A_26, %exp3A_40 : vector<64x512xf32>
    %eq3A_42 = arith.constant 2 : i32
    %eq3A_43 = vector.broadcast %eq3A_42 : i32 to vector<64x512xi32>
    %eq3A_44 = arith.cmpi eq, %get3A_4, %eq3A_43 : vector<64x512xi32>
    %jit3A_45 = arith.constant 0.000000e+00 : f32
    %broadcast_in_dim3A_46 = vector.broadcast %jit3A_45 : f32 to vector<64x512xf32>
    %select_n3A_47 = arith.select %eq3A_44, %get3A_39, %broadcast_in_dim3A_46 : vector<64x512xi1>, vector<64x512xf32>
    %add3A_48 = arith.addf %add3A_33, %select_n3A_47 : vector<64x512xf32>
    %get3A_49 = arith.constant 0 : index
    %get3A_50 = arith.constant 3 : index
    %get3A_51 = arith.constant 0 : index
    %get3A_52 = arith.constant 0 : index
    %get3A_53 = vector.load %arg2[%get3A_49, %get3A_50, %get3A_51, %get3A_52] : memref<1x19x64x512xf32, #tpu.memory_space<vmem>>, vector<1x1x64x512xf32>
    %get3A_54 = vector.shape_cast %get3A_53 : vector<1x1x64x512xf32> to vector<64x512xf32>
    %exp3A_55 = math.exp %get3A_54 : vector<64x512xf32>
    %add3A_56 = arith.addf %add3A_41, %exp3A_55 : vector<64x512xf32>
    %eq3A_57 = arith.constant 3 : i32
    %eq3A_58 = vector.broadcast %eq3A_57 : i32 to vector<64x512xi32>
    %eq3A_59 = arith.cmpi eq, %get3A_4, %eq3A_58 : vector<64x512xi32>
    %jit3A_60 = arith.constant 0.000000e+00 : f32
    %broadcast_in_dim3A_61 = vector.broadcast %jit3A_60 : f32 to vector<64x512xf32>
    %select_n3A_62 = arith.select %eq3A_59, %get3A_54, %broadcast_in_dim3A_61 : vector<64x512xi1>, vector<64x512xf32>
    %add3A_63 = arith.addf %add3A_48, %select_n3A_62 : vector<64x512xf32>
    %get3A_64 = arith.constant 0 : index
    %get3A_65 = arith.constant 4 : index
    %get3A_66 = arith.constant 0 : index
    %get3A_67 = arith.constant 0 : index
    %get3A_68 = vector.load %arg2[%get3A_64, %get3A_65, %get3A_66, %get3A_67] : memref<1x19x64x512xf32, #tpu.memory_space<vmem>>, vector<1x1x64x512xf32>
    %get3A_69 = vector.shape_cast %get3A_68 : vector<1x1x64x512xf32> to vector<64x512xf32>
    %exp3A_70 = math.exp %get3A_69 : vector<64x512xf32>
    %add3A_71 = arith.addf %add3A_56, %exp3A_70 : vector<64x512xf32>
    %eq3A_72 = arith.constant 4 : i32
    %eq3A_73 = vector.broadcast %eq3A_72 : i32 to vector<64x512xi32>
    %eq3A_74 = arith.cmpi eq, %get3A_4, %eq3A_73 : vector<64x512xi32>
    %jit3A_75 = arith.constant 0.000000e+00 : f32
    %broadcast_in_dim3A_76 = vector.broadcast %jit3A_75 : f32 to vector<64x512xf32>
    %select_n3A_77 = arith.select %eq3A_74, %get3A_69, %broadcast_in_dim3A_76 : vector<64x512xi1>, vector<64x512xf32>
    %add3A_78 = arith.addf %add3A_63, %select_n3A_77 : vector<64x512xf32>
    %get3A_79 = arith.constant 0 : index
    %get3A_80 = arith.constant 5 : index
    %get3A_81 = arith.constant 0 : index
    %get3A_82 = arith.constant 0 : index
    %get3A_83 = vector.load %arg2[%get3A_79, %get3A_80, %get3A_81, %get3A_82] : memref<1x19x64x512xf32, #tpu.memory_space<vmem>>, vector<1x1x64x512xf32>
    %get3A_84 = vector.shape_cast %get3A_83 : vector<1x1x64x512xf32> to vector<64x512xf32>
    %exp3A_85 = math.exp %get3A_84 : vector<64x512xf32>
    %add3A_86 = arith.addf %add3A_71, %exp3A_85 : vector<64x512xf32>
    %eq3A_87 = arith.constant 5 : i32
    %eq3A_88 = vector.broadcast %eq3A_87 : i32 to vector<64x512xi32>
    %eq3A_89 = arith.cmpi eq, %get3A_4, %eq3A_88 : vector<64x512xi32>
    %jit3A_90 = arith.constant 0.000000e+00 : f32
    %broadcast_in_dim3A_91 = vector.broadcast %jit3A_90 : f32 to vector<64x512xf32>
    %select_n3A_92 = arith.select %eq3A_89, %get3A_84, %broadcast_in_dim3A_91 : vector<64x512xi1>, vector<64x512xf32>
    %add3A_93 = arith.addf %add3A_78, %select_n3A_92 : vector<64x512xf32>
    %get3A_94 = arith.constant 0 : index
    %get3A_95 = arith.constant 6 : index
    %get3A_96 = arith.constant 0 : index
    %get3A_97 = arith.constant 0 : index
    %get3A_98 = vector.load %arg2[%get3A_94, %get3A_95, %get3A_96, %get3A_97] : memref<1x19x64x512xf32, #tpu.memory_space<vmem>>, vector<1x1x64x512xf32>
    %get3A_99 = vector.shape_cast %get3A_98 : vector<1x1x64x512xf32> to vector<64x512xf32>
    %exp3A_100 = math.exp %get3A_99 : vector<64x512xf32>
    %add3A_101 = arith.addf %add3A_86, %exp3A_100 : vector<64x512xf32>
    %eq3A_102 = arith.constant 6 : i32
    %eq3A_103 = vector.broadcast %eq3A_102 : i32 to vector<64x512xi32>
    %eq3A_104 = arith.cmpi eq, %get3A_4, %eq3A_103 : vector<64x512xi32>
    %jit3A_105 = arith.constant 0.000000e+00 : f32
    %broadcast_in_dim3A_106 = vector.broadcast %jit3A_105 : f32 to vector<64x512xf32>
    %select_n3A_107 = arith.select %eq3A_104, %get3A_99, %broadcast_in_dim3A_106 : vector<64x512xi1>, vector<64x512xf32>
    %add3A_108 = arith.addf %add3A_93, %select_n3A_107 : vector<64x512xf32>
    %get3A_109 = arith.constant 0 : index
    %get3A_110 = arith.constant 7 : index
    %get3A_111 = arith.constant 0 : index
    %get3A_112 = arith.constant 0 : index
    %get3A_113 = vector.load %arg2[%get3A_109, %get3A_110, %get3A_111, %get3A_112] : memref<1x19x64x512xf32, #tpu.memory_space<vmem>>, vector<1x1x64x512xf32>
    %get3A_114 = vector.shape_cast %get3A_113 : vector<1x1x64x512xf32> to vector<64x512xf32>
    %exp3A_115 = math.exp %get3A_114 : vector<64x512xf32>
    %add3A_116 = arith.addf %add3A_101, %exp3A_115 : vector<64x512xf32>
    %eq3A_117 = arith.constant 7 : i32
    %eq3A_118 = vector.broadcast %eq3A_117 : i32 to vector<64x512xi32>
    %eq3A_119 = arith.cmpi eq, %get3A_4, %eq3A_118 : vector<64x512xi32>
    %jit3A_120 = arith.constant 0.000000e+00 : f32
    %broadcast_in_dim3A_121 = vector.broadcast %jit3A_120 : f32 to vector<64x512xf32>
    %select_n3A_122 = arith.select %eq3A_119, %get3A_114, %broadcast_in_dim3A_121 : vector<64x512xi1>, vector<64x512xf32>
    %add3A_123 = arith.addf %add3A_108, %select_n3A_122 : vector<64x512xf32>
    %get3A_124 = arith.constant 0 : index
    %get3A_125 = arith.constant 8 : index
    %get3A_126 = arith.constant 0 : index
    %get3A_127 = arith.constant 0 : index
    %get3A_128 = vector.load %arg2[%get3A_124, %get3A_125, %get3A_126, %get3A_127] : memref<1x19x64x512xf32, #tpu.memory_space<vmem>>, vector<1x1x64x512xf32>
    %get3A_129 = vector.shape_cast %get3A_128 : vector<1x1x64x512xf32> to vector<64x512xf32>
    %exp3A_130 = math.exp %get3A_129 : vector<64x512xf32>
    %add3A_131 = arith.addf %add3A_116, %exp3A_130 : vector<64x512xf32>
    %eq3A_132 = arith.constant 8 : i32
    %eq3A_133 = vector.broadcast %eq3A_132 : i32 to vector<64x512xi32>
    %eq3A_134 = arith.cmpi eq, %get3A_4, %eq3A_133 : vector<64x512xi32>
    %jit3A_135 = arith.constant 0.000000e+00 : f32
    %broadcast_in_dim3A_136 = vector.broadcast %jit3A_135 : f32 to vector<64x512xf32>
    %select_n3A_137 = arith.select %eq3A_134, %get3A_129, %broadcast_in_dim3A_136 : vector<64x512xi1>, vector<64x512xf32>
    %add3A_138 = arith.addf %add3A_123, %select_n3A_137 : vector<64x512xf32>
    %get3A_139 = arith.constant 0 : index
    %get3A_140 = arith.constant 9 : index
    %get3A_141 = arith.constant 0 : index
    %get3A_142 = arith.constant 0 : index
    %get3A_143 = vector.load %arg2[%get3A_139, %get3A_140, %get3A_141, %get3A_142] : memref<1x19x64x512xf32, #tpu.memory_space<vmem>>, vector<1x1x64x512xf32>
    %get3A_144 = vector.shape_cast %get3A_143 : vector<1x1x64x512xf32> to vector<64x512xf32>
    %exp3A_145 = math.exp %get3A_144 : vector<64x512xf32>
    %add3A_146 = arith.addf %add3A_131, %exp3A_145 : vector<64x512xf32>
    %eq3A_147 = arith.constant 9 : i32
    %eq3A_148 = vector.broadcast %eq3A_147 : i32 to vector<64x512xi32>
    %eq3A_149 = arith.cmpi eq, %get3A_4, %eq3A_148 : vector<64x512xi32>
    %jit3A_150 = arith.constant 0.000000e+00 : f32
    %broadcast_in_dim3A_151 = vector.broadcast %jit3A_150 : f32 to vector<64x512xf32>
    %select_n3A_152 = arith.select %eq3A_149, %get3A_144, %broadcast_in_dim3A_151 : vector<64x512xi1>, vector<64x512xf32>
    %add3A_153 = arith.addf %add3A_138, %select_n3A_152 : vector<64x512xf32>
    %get3A_154 = arith.constant 0 : index
    %get3A_155 = arith.constant 10 : index
    %get3A_156 = arith.constant 0 : index
    %get3A_157 = arith.constant 0 : index
    %get3A_158 = vector.load %arg2[%get3A_154, %get3A_155, %get3A_156, %get3A_157] : memref<1x19x64x512xf32, #tpu.memory_space<vmem>>, vector<1x1x64x512xf32>
    %get3A_159 = vector.shape_cast %get3A_158 : vector<1x1x64x512xf32> to vector<64x512xf32>
    %exp3A_160 = math.exp %get3A_159 : vector<64x512xf32>
    %add3A_161 = arith.addf %add3A_146, %exp3A_160 : vector<64x512xf32>
    %eq3A_162 = arith.constant 10 : i32
    %eq3A_163 = vector.broadcast %eq3A_162 : i32 to vector<64x512xi32>
    %eq3A_164 = arith.cmpi eq, %get3A_4, %eq3A_163 : vector<64x512xi32>
    %jit3A_165 = arith.constant 0.000000e+00 : f32
    %broadcast_in_dim3A_166 = vector.broadcast %jit3A_165 : f32 to vector<64x512xf32>
    %select_n3A_167 = arith.select %eq3A_164, %get3A_159, %broadcast_in_dim3A_166 : vector<64x512xi1>, vector<64x512xf32>
    %add3A_168 = arith.addf %add3A_153, %select_n3A_167 : vector<64x512xf32>
    %get3A_169 = arith.constant 0 : index
    %get3A_170 = arith.constant 11 : index
    %get3A_171 = arith.constant 0 : index
    %get3A_172 = arith.constant 0 : index
    %get3A_173 = vector.load %arg2[%get3A_169, %get3A_170, %get3A_171, %get3A_172] : memref<1x19x64x512xf32, #tpu.memory_space<vmem>>, vector<1x1x64x512xf32>
    %get3A_174 = vector.shape_cast %get3A_173 : vector<1x1x64x512xf32> to vector<64x512xf32>
    %exp3A_175 = math.exp %get3A_174 : vector<64x512xf32>
    %add3A_176 = arith.addf %add3A_161, %exp3A_175 : vector<64x512xf32>
    %eq3A_177 = arith.constant 11 : i32
    %eq3A_178 = vector.broadcast %eq3A_177 : i32 to vector<64x512xi32>
    %eq3A_179 = arith.cmpi eq, %get3A_4, %eq3A_178 : vector<64x512xi32>
    %jit3A_180 = arith.constant 0.000000e+00 : f32
    %broadcast_in_dim3A_181 = vector.broadcast %jit3A_180 : f32 to vector<64x512xf32>
    %select_n3A_182 = arith.select %eq3A_179, %get3A_174, %broadcast_in_dim3A_181 : vector<64x512xi1>, vector<64x512xf32>
    %add3A_183 = arith.addf %add3A_168, %select_n3A_182 : vector<64x512xf32>
    %get3A_184 = arith.constant 0 : index
    %get3A_185 = arith.constant 12 : index
    %get3A_186 = arith.constant 0 : index
    %get3A_187 = arith.constant 0 : index
    %get3A_188 = vector.load %arg2[%get3A_184, %get3A_185, %get3A_186, %get3A_187] : memref<1x19x64x512xf32, #tpu.memory_space<vmem>>, vector<1x1x64x512xf32>
    %get3A_189 = vector.shape_cast %get3A_188 : vector<1x1x64x512xf32> to vector<64x512xf32>
    %exp3A_190 = math.exp %get3A_189 : vector<64x512xf32>
    %add3A_191 = arith.addf %add3A_176, %exp3A_190 : vector<64x512xf32>
    %eq3A_192 = arith.constant 12 : i32
    %eq3A_193 = vector.broadcast %eq3A_192 : i32 to vector<64x512xi32>
    %eq3A_194 = arith.cmpi eq, %get3A_4, %eq3A_193 : vector<64x512xi32>
    %jit3A_195 = arith.constant 0.000000e+00 : f32
    %broadcast_in_dim3A_196 = vector.broadcast %jit3A_195 : f32 to vector<64x512xf32>
    %select_n3A_197 = arith.select %eq3A_194, %get3A_189, %broadcast_in_dim3A_196 : vector<64x512xi1>, vector<64x512xf32>
    %add3A_198 = arith.addf %add3A_183, %select_n3A_197 : vector<64x512xf32>
    %get3A_199 = arith.constant 0 : index
    %get3A_200 = arith.constant 13 : index
    %get3A_201 = arith.constant 0 : index
    %get3A_202 = arith.constant 0 : index
    %get3A_203 = vector.load %arg2[%get3A_199, %get3A_200, %get3A_201, %get3A_202] : memref<1x19x64x512xf32, #tpu.memory_space<vmem>>, vector<1x1x64x512xf32>
    %get3A_204 = vector.shape_cast %get3A_203 : vector<1x1x64x512xf32> to vector<64x512xf32>
    %exp3A_205 = math.exp %get3A_204 : vector<64x512xf32>
    %add3A_206 = arith.addf %add3A_191, %exp3A_205 : vector<64x512xf32>
    %eq3A_207 = arith.constant 13 : i32
    %eq3A_208 = vector.broadcast %eq3A_207 : i32 to vector<64x512xi32>
    %eq3A_209 = arith.cmpi eq, %get3A_4, %eq3A_208 : vector<64x512xi32>
    %jit3A_210 = arith.constant 0.000000e+00 : f32
    %broadcast_in_dim3A_211 = vector.broadcast %jit3A_210 : f32 to vector<64x512xf32>
    %select_n3A_212 = arith.select %eq3A_209, %get3A_204, %broadcast_in_dim3A_211 : vector<64x512xi1>, vector<64x512xf32>
    %add3A_213 = arith.addf %add3A_198, %select_n3A_212 : vector<64x512xf32>
    %get3A_214 = arith.constant 0 : index
    %get3A_215 = arith.constant 14 : index
    %get3A_216 = arith.constant 0 : index
    %get3A_217 = arith.constant 0 : index
    %get3A_218 = vector.load %arg2[%get3A_214, %get3A_215, %get3A_216, %get3A_217] : memref<1x19x64x512xf32, #tpu.memory_space<vmem>>, vector<1x1x64x512xf32>
    %get3A_219 = vector.shape_cast %get3A_218 : vector<1x1x64x512xf32> to vector<64x512xf32>
    %exp3A_220 = math.exp %get3A_219 : vector<64x512xf32>
    %add3A_221 = arith.addf %add3A_206, %exp3A_220 : vector<64x512xf32>
    %eq3A_222 = arith.constant 14 : i32
    %eq3A_223 = vector.broadcast %eq3A_222 : i32 to vector<64x512xi32>
    %eq3A_224 = arith.cmpi eq, %get3A_4, %eq3A_223 : vector<64x512xi32>
    %jit3A_225 = arith.constant 0.000000e+00 : f32
    %broadcast_in_dim3A_226 = vector.broadcast %jit3A_225 : f32 to vector<64x512xf32>
    %select_n3A_227 = arith.select %eq3A_224, %get3A_219, %broadcast_in_dim3A_226 : vector<64x512xi1>, vector<64x512xf32>
    %add3A_228 = arith.addf %add3A_213, %select_n3A_227 : vector<64x512xf32>
    %get3A_229 = arith.constant 0 : index
    %get3A_230 = arith.constant 15 : index
    %get3A_231 = arith.constant 0 : index
    %get3A_232 = arith.constant 0 : index
    %get3A_233 = vector.load %arg2[%get3A_229, %get3A_230, %get3A_231, %get3A_232] : memref<1x19x64x512xf32, #tpu.memory_space<vmem>>, vector<1x1x64x512xf32>
    %get3A_234 = vector.shape_cast %get3A_233 : vector<1x1x64x512xf32> to vector<64x512xf32>
    %exp3A_235 = math.exp %get3A_234 : vector<64x512xf32>
    %add3A_236 = arith.addf %add3A_221, %exp3A_235 : vector<64x512xf32>
    %eq3A_237 = arith.constant 15 : i32
    %eq3A_238 = vector.broadcast %eq3A_237 : i32 to vector<64x512xi32>
    %eq3A_239 = arith.cmpi eq, %get3A_4, %eq3A_238 : vector<64x512xi32>
    %jit3A_240 = arith.constant 0.000000e+00 : f32
    %broadcast_in_dim3A_241 = vector.broadcast %jit3A_240 : f32 to vector<64x512xf32>
    %select_n3A_242 = arith.select %eq3A_239, %get3A_234, %broadcast_in_dim3A_241 : vector<64x512xi1>, vector<64x512xf32>
    %add3A_243 = arith.addf %add3A_228, %select_n3A_242 : vector<64x512xf32>
    %get3A_244 = arith.constant 0 : index
    %get3A_245 = arith.constant 16 : index
    %get3A_246 = arith.constant 0 : index
    %get3A_247 = arith.constant 0 : index
    %get3A_248 = vector.load %arg2[%get3A_244, %get3A_245, %get3A_246, %get3A_247] : memref<1x19x64x512xf32, #tpu.memory_space<vmem>>, vector<1x1x64x512xf32>
    %get3A_249 = vector.shape_cast %get3A_248 : vector<1x1x64x512xf32> to vector<64x512xf32>
    %exp3A_250 = math.exp %get3A_249 : vector<64x512xf32>
    %add3A_251 = arith.addf %add3A_236, %exp3A_250 : vector<64x512xf32>
    %eq3A_252 = arith.constant 16 : i32
    %eq3A_253 = vector.broadcast %eq3A_252 : i32 to vector<64x512xi32>
    %eq3A_254 = arith.cmpi eq, %get3A_4, %eq3A_253 : vector<64x512xi32>
    %jit3A_255 = arith.constant 0.000000e+00 : f32
    %broadcast_in_dim3A_256 = vector.broadcast %jit3A_255 : f32 to vector<64x512xf32>
    %select_n3A_257 = arith.select %eq3A_254, %get3A_249, %broadcast_in_dim3A_256 : vector<64x512xi1>, vector<64x512xf32>
    %add3A_258 = arith.addf %add3A_243, %select_n3A_257 : vector<64x512xf32>
    %get3A_259 = arith.constant 0 : index
    %get3A_260 = arith.constant 17 : index
    %get3A_261 = arith.constant 0 : index
    %get3A_262 = arith.constant 0 : index
    %get3A_263 = vector.load %arg2[%get3A_259, %get3A_260, %get3A_261, %get3A_262] : memref<1x19x64x512xf32, #tpu.memory_space<vmem>>, vector<1x1x64x512xf32>
    %get3A_264 = vector.shape_cast %get3A_263 : vector<1x1x64x512xf32> to vector<64x512xf32>
    %exp3A_265 = math.exp %get3A_264 : vector<64x512xf32>
    %add3A_266 = arith.addf %add3A_251, %exp3A_265 : vector<64x512xf32>
    %eq3A_267 = arith.constant 17 : i32
    %eq3A_268 = vector.broadcast %eq3A_267 : i32 to vector<64x512xi32>
    %eq3A_269 = arith.cmpi eq, %get3A_4, %eq3A_268 : vector<64x512xi32>
    %jit3A_270 = arith.constant 0.000000e+00 : f32
    %broadcast_in_dim3A_271 = vector.broadcast %jit3A_270 : f32 to vector<64x512xf32>
    %select_n3A_272 = arith.select %eq3A_269, %get3A_264, %broadcast_in_dim3A_271 : vector<64x512xi1>, vector<64x512xf32>
    %add3A_273 = arith.addf %add3A_258, %select_n3A_272 : vector<64x512xf32>
    %get3A_274 = arith.constant 0 : index
    %get3A_275 = arith.constant 18 : index
    %get3A_276 = arith.constant 0 : index
    %get3A_277 = arith.constant 0 : index
    %get3A_278 = vector.load %arg2[%get3A_274, %get3A_275, %get3A_276, %get3A_277] : memref<1x19x64x512xf32, #tpu.memory_space<vmem>>, vector<1x1x64x512xf32>
    %get3A_279 = vector.shape_cast %get3A_278 : vector<1x1x64x512xf32> to vector<64x512xf32>
    %exp3A_280 = math.exp %get3A_279 : vector<64x512xf32>
    %add3A_281 = arith.addf %add3A_266, %exp3A_280 : vector<64x512xf32>
    %eq3A_282 = arith.constant 18 : i32
    %eq3A_283 = vector.broadcast %eq3A_282 : i32 to vector<64x512xi32>
    %eq3A_284 = arith.cmpi eq, %get3A_4, %eq3A_283 : vector<64x512xi32>
    %jit3A_285 = arith.constant 0.000000e+00 : f32
    %broadcast_in_dim3A_286 = vector.broadcast %jit3A_285 : f32 to vector<64x512xf32>
    %select_n3A_287 = arith.select %eq3A_284, %get3A_279, %broadcast_in_dim3A_286 : vector<64x512xi1>, vector<64x512xf32>
    %add3A_288 = arith.addf %add3A_273, %select_n3A_287 : vector<64x512xf32>
    %log3A = math.log %add3A_281 : vector<64x512xf32>
    %sub3A = arith.subf %log3A, %add3A_288 : vector<64x512xf32>
    %eq3A_289 = arith.constant 0 : i32
    %eq3A_290 = arith.cmpi eq, %add3A, %eq3A_289 : i32
    %convert_element_type3A = arith.extui %eq3A_290 : i1 to i32
    %cond3A = arith.constant 0 : i32
    %cond3A_291 = arith.cmpi ne, %convert_element_type3A, %cond3A : i32
    scf.if %cond3A_291 {
      %swap3A_311 = arith.constant 0.000000e+00 : f32
      %swap3A_312 = arith.constant 0 : index
      %swap3A_313 = memref.load %arg6[%swap3A_312] : memref<1xf32, #tpu.memory_space<smem>>
      memref.store %swap3A_311, %arg6[%swap3A_312] : memref<1xf32, #tpu.memory_space<smem>>
    } else {
    }
    %broadcast_in_dim3A_292 = arith.constant 1.000000e+00 : f32
    %broadcast_in_dim3A_293 = vector.broadcast %broadcast_in_dim3A_292 : f32 to vector<8x64xf32>
    %dot_general3A = arith.constant dense<0.000000e+00> : vector<8x512xf32>
    %dot_general3A_294 = tpu.matmul %broadcast_in_dim3A_293, %sub3A, %dot_general3A {dimension_numbers = #tpu.dot_dimension_numbers<[1], [0], [0], [1], [0, 0, 1, 1], [], []>, transpose_lhs_hint = false} : vector<8x64xf32>, vector<64x512xf32>, vector<8x512xf32> -> vector<8x512xf32>
    %get3A_295 = arith.constant 0 : index
    %get3A_296 = memref.load %arg6[%get3A_295] : memref<1xf32, #tpu.memory_space<smem>>
    %slice3A = vector.extract_strided_slice %dot_general3A_294 {offsets = [0, 0], sizes = [1, 512], strides = [1, 1]} : vector<8x512xf32> to vector<1x512xf32>
    %squeeze3A = vector.shape_cast %slice3A : vector<1x512xf32> to vector<512xf32>
    %reduce_sum3A = vector.shape_cast %squeeze3A : vector<512xf32> to vector<1x512xf32>
    %reduce_sum3A_297 = arith.constant dense<0.000000e+00> : vector<1xf32>
    %reduce_sum3A_298 = vector.multi_reduction <add>, %reduce_sum3A, %reduce_sum3A_297 [1] : vector<1x512xf32> to vector<1xf32>
    %reduce_sum3A_299 = vector.shape_cast %reduce_sum3A_298 : vector<1xf32> to vector<1x1xf32>
    %reduce_sum3A_300 = vector.extract %reduce_sum3A_299[0, 0] : f32 from vector<1x1xf32>
    %add3A_301 = arith.addf %get3A_296, %reduce_sum3A_300 : f32
    %swap3A = arith.constant 0 : index
    %swap3A_302 = memref.load %arg6[%swap3A] : memref<1xf32, #tpu.memory_space<smem>>
    memref.store %add3A_301, %arg6[%swap3A] : memref<1xf32, #tpu.memory_space<smem>>
    %swap3A_303 = arith.constant 0 : index
    %swap3A_304 = arith.constant 0 : index
    %swap3A_305 = vector.load %arg4[%swap3A_303, %swap3A_304] : memref<64x512xf32, #tpu.memory_space<vmem>>, vector<64x512xf32>
    tpu.vector_store %arg4[%swap3A_303, %swap3A_304], %sub3A {strides = array<i32>} : memref<64x512xf32, #tpu.memory_space<vmem>>, vector<64x512xf32>,
    %eq3A_306 = arith.constant 31 : i32
    %eq3A_307 = arith.cmpi eq, %add3A, %eq3A_306 : i32
    %convert_element_type3A_308 = arith.extui %eq3A_307 : i1 to i32
    %cond3A_309 = arith.constant 0 : i32
    %cond3A_310 = arith.cmpi ne, %convert_element_type3A_308, %cond3A_309 : i32
    scf.if %cond3A_310 {
      %get3A_311 = arith.constant 0 : index
      %get3A_312 = memref.load %arg6[%get3A_311] : memref<1xf32, #tpu.memory_space<smem>>
      %swap3A_313 = arith.constant 0 : index
      %swap3A_314 = arith.constant 0 : index
      %swap3A_315 = memref.load %arg5[%swap3A_313, %swap3A_314] : memref<1x1xf32, #tpu.memory_space<smem>>
      memref.store %get3A_312, %arg5[%swap3A_313, %swap3A_314] : memref<1x1xf32, #tpu.memory_space<smem>>
    } else {
    }
    return
  }
  func.func @transform_0(%arg0: i32, %arg1: i32) -> (i32, i32, i32, i32) {
    %c0_i32 = arith.constant 0 : i32
    %c0_i32_0 = arith.constant 0 : i32
    %c0_i32_1 = arith.constant 0 : i32
    return %arg0, %c0_i32, %arg1, %c0_i32_0 : i32, i32, i32, i32
  }
  func.func @transform_1(%arg0: i32, %arg1: i32) -> (i32, i32, i32) {
    %c0_i32 = arith.constant 0 : i32
    %c0_i32_0 = arith.constant 0 : i32
    return %arg0, %arg1, %c0_i32 : i32, i32, i32
  }
  func.func @transform_2(%arg0: i32, %arg1: i32) -> (i32, i32) {
    %mul3A = arith.constant 8 : i32
    %mul3A_0 = arith.muli %arg0, %mul3A : i32
    %add3A = arith.addi %mul3A_0, %arg1 : i32
    %c0_i32 = arith.constant 0 : i32
    %c0_i32_1 = arith.constant 0 : i32
    return %add3A, %c0_i32 : i32, i32
  }
  func.func @transform_3(%arg0: i32, %arg1: i32) -> (i32, i32) {
    %c0_i32 = arith.constant 0 : i32
    %c0_i32_0 = arith.constant 0 : i32
    %c0_i32_1 = arith.constant 0 : i32
    return %c0_i32, %c0_i32_0 : i32, i32
  }
}

</mosaic_0001>

<sc_bundles>
// kernel: kernel.5.cloned.1.call-start
scs
__scs_entry_jumppad:
0x0: {  	(pc) =	sbr.rel $0x88, $3  }
0x1: {  	(tag) =	ssettag $0x0;
	lr =	simm.s32 $0x1  }
0x2: {  	[smem:$0x3F9F] =	sst lr;
	_ =	strace $0xD0000000  }
0x3: {  	_ = 	snop  }
0x4: {  	_ = 	snop  }
0x5: {  	_ = 	snop  }
0x6: {  	_ = 	snop  }
0x7: {  	_ = 	snop  }
__scs_overlays_trampoline_lowered:
0x8: {  	[smem:$0x3FAE] =	sst s0  }
0x9: {  	[smem:$0x3FAF] =	sst s1  }
0xa: {  	[smem:$0x3FB0] =	sst s2  }
0xb: {  	[smem:$0x3FB1] =	sst s3  }
0xc: {  	[smem:$0x3FB2] =	sst s4  }
0xd: {  	[smem:$0x3FB3] =	sst s5  }
0xe: {  	[smem:$0x3FB4] =	sst s6  }
0xf: {  	[smem:$0x3FB5] =	sst s7  }
0x10: {  	[smem:$0x3FB6] =	sst s8  }
0x11: {  	[smem:$0x3FB7] =	sst s9;
	s0 =	simm.s32 @!p0 $0x0  }
0x12: {  	s1 =	sld [smem:$0x3F9D];
	s0 =	simm.s32 @p0 $0x1  }
0x13: {  	[smem:$0x3FB8] =	sst s0;
	s0 =	simm.s32 @!p1 $0x0  }
0x14: {  	s2 =	sld [smem:$0x3F9C];
	s0 =	simm.s32 @p1 $0x1  }
0x15: {  	[smem:$0x3FB9] =	sst s0;
	s0 =	simm.s32 @!p2 $0x0  }
0x16: {  	s3 =	sld [smem:$0x3FDB];
	s0 =	simm.s32 @p2 $0x1  }
0x17: {  	s4 =	simm.s32 $0x1BF5;
	[smem:$0x3FBB] =	sst s0  }
0x18: {  	s0 =	sld [smem:$0x3F9E];
	_ =	swait.ge [sflag:s4], $0x0  }
0x19: {  	s7 =	sld [smem:$0x3F9F]  }
0x1a: {  	s8 =	sadd.s32 $0xFFFFE003, lr  }
0x1b: {  	s9 =	sadd.s32 $0xFFFFFEF7, lr;
	s5 =	simm.s32 $0xFFFFFFFF;
	p2 =	slt.u32 s8, $0xFFFFF086  }
0x1c: {  	p1 =	slt.u32 s9, $0xF7A;
	s5 =	simm.s32 @!p2 $0x0  }
0x1d: {  	s5 =	simm.s32 @p1 $0x1;
	p0 =	seq.s32 s7, s2  }
0x1e: {  	s7 =	smul.u32 @!p0 $0xF7A, s2;
	p2 =	seq.s32 @!p0 s5, $0x0  }
0x1f: {  	s9 =	smul.u32 $0xF7A, s1;
	s8 =	simm.s32 @!p0 $0x1BF5;
	p2 =	por !p2, p0  }
0x20: {  	[sflag:s8] =	ssyncset.s32 @!p0 $0xFFFFF086;
	s6 =	sadd.s32 @!p0 s3, s7;
	s7 =	simm.s32 @!p0 $0x108  }
0x21: {  	s3 =	sadd.s32 s3, s9;
	s6 =	sadd.s32 @!p0 $0x88, s6;
	s7 =	simm.s32 @p2 $0x1082  }
0x22: {  	[simem:s7], [sflag:s8] =	dma.local @!p0 [hbm:s6], $0xF7A  }
0x23: {  	s9 =	sor.u32 $0xD0000000, s2;
	s6 =	simm.s32 $0x108;
	_ =	swait.ge @!p0 [sflag:s8], $0x0  }
0x24: {  	s3 =	sadd.s32 $0x88, s3;
	s6 =	simm.s32 @!p1 $0x1082;
	[sflag:s4] =	ssyncset.s32 $0xFFFFF086  }
0x25: {  	[simem:s6], [sflag:s4] =	dma.local [hbm:s3], $0xF7A  }
0x26: {  	[smem:$0x3F9F] =	sst s1;
	(tag) =	ssettag s2;
	_ =	strace s9  }
0x27: {  	s1 =	sld [smem:$0x3FAF]  }
0x28: {  	s2 =	sld [smem:$0x3FB0]  }
0x29: {  	s4 =	sld [smem:$0x3FB2]  }
0x2a: {  	p0 =	seq.s32 s5, $0x0;
	s5 =	sld [smem:$0x3FB3]  }
0x2b: {  	s6 =	sld [smem:$0x3FB4]  }
0x2c: {  	s7 =	sld [smem:$0x3FB5]  }
0x2d: {  	s3 =	simm.s32 $0x108;
	s8 =	sld [smem:$0x3FB6]  }
0x2e: {  	s3 =	simm.s32 @!p0 $0x1082;
	s9 =	sld [smem:$0x3FB7]  }
0x2f: {  	lr =	sadd.s32 s0, s3;
	s0 =	sld [smem:$0x3FAE]  }
0x30: {  	s3 =	sld [smem:$0x3FB1]  }
0x31: {  	[smem:$0x3FBA] =	sst s10  }
0x32: {  	s10 =	sld [smem:$0x3FB8];
	_ =	sdelay $0x3  }
0x33: {  	p0 =	seq.s32 s10, $0x1;
	s10 =	sld [smem:$0x3FBA];
	_ =	sdelay $0x3  }
0x34: {  	[smem:$0x3FBA] =	sst s10  }
0x35: {  	s10 =	sld [smem:$0x3FB9];
	_ =	sdelay $0x3  }
0x36: {  	p1 =	seq.s32 s10, $0x1;
	s10 =	sld [smem:$0x3FBA];
	_ =	sdelay $0x3  }
0x37: {  	[smem:$0x3FBA] =	sst s10  }
0x38: {  	s10 =	sld [smem:$0x3FBB]  }
0x39: {  	_ = 	snop;
	(pc) =	sbr.ind lr, $3  }
0x3a: {  	_ = 	snop  }
0x3b: {  	_ = 	snop  }
0x3c: {  	p2 =	seq.s32 s10, $0x1;
	s10 =	sld [smem:$0x3FBA]  }
0x3d: {  	_ =	shalt  }
0x3e: {  	_ =	shalt  }
0x3f: {  	_ =	shalt  }
0x40: {  	_ =	shalt  }
0x41: {  	_ =	shalt  }
0x42: {  	_ =	shalt  }
0x43: {  	_ =	shalt  }
0x44: {  	_ =	shalt  }
0x45: {  	_ =	shalt  }
0x46: {  	_ =	shalt  }
0x47: {  	_ =	shalt  }
0x48: {  	_ =	shalt  }
0x49: {  	_ =	shalt  }
0x4a: {  	_ =	shalt  }
0x4b: {  	_ =	shalt  }
0x4c: {  	_ =	shalt  }
0x4d: {  	_ =	shalt  }
0x4e: {  	_ =	shalt  }
0x4f: {  	_ =	shalt  }
0x50: {  	_ =	shalt  }
0x51: {  	_ =	shalt  }
0x52: {  	_ =	shalt  }
0x53: {  	_ =	shalt  }
0x54: {  	_ =	shalt  }
0x55: {  	_ =	shalt  }
0x56: {  	_ =	shalt  }
0x57: {  	_ =	shalt  }
0x58: {  	_ =	shalt  }
0x59: {  	_ =	shalt  }
0x5a: {  	_ =	shalt  }
0x5b: {  	_ =	shalt  }
0x5c: {  	_ =	shalt  }
0x5d: {  	_ =	shalt  }
0x5e: {  	_ =	shalt  }
0x5f: {  	_ =	shalt  }
0x60: {  	_ =	shalt  }
0x61: {  	_ =	shalt  }
0x62: {  	_ =	shalt  }
0x63: {  	_ =	shalt  }
0x64: {  	_ =	shalt  }
0x65: {  	_ =	shalt  }
0x66: {  	_ =	shalt  }
0x67: {  	_ =	shalt  }
0x68: {  	_ =	shalt  }
0x69: {  	_ =	shalt  }
0x6a: {  	_ =	shalt  }
0x6b: {  	_ =	shalt  }
0x6c: {  	_ =	shalt  }
0x6d: {  	_ =	shalt  }
0x6e: {  	_ =	shalt  }
0x6f: {  	_ =	shalt  }
0x70: {  	_ =	shalt  }
0x71: {  	_ =	shalt  }
0x72: {  	_ =	shalt  }
0x73: {  	_ =	shalt  }
0x74: {  	_ =	shalt  }
0x75: {  	_ =	shalt  }
0x76: {  	_ =	shalt  }
0x77: {  	_ =	shalt  }
0x78: {  	_ =	shalt  }
0x79: {  	_ =	shalt  }
0x7a: {  	_ =	shalt  }
0x7b: {  	_ =	shalt  }
0x7c: {  	_ =	shalt  }
0x7d: {  	_ =	shalt  }
0x7e: {  	_ =	shalt  }
0x7f: {  	_ =	shalt  }
0x80: {  	_ =	shalt  }
0x81: {  	_ =	shalt  }
0x82: {  	_ =	shalt  }
0x83: {  	_ =	shalt  }
0x84: {  	_ =	shalt  }
0x85: {  	_ =	shalt  }
0x86: {  	_ =	shalt  }
0x87: {  	_ =	shalt  }
.Lfunc_end0:
.L_simem_size_0:
called_computation_lowered:
.L_overlay_start_0:
0x88: {  	s2 =	sld [smem:$0x3FD9]  }
0x89: {  	s3 =	sld [smem:$0x3FFE];
	_ =	sdelay $0x1  }
0x8a: {  	s1 =	srdreg.scid  }
0x8b: {  	s0 =	sand.u32 $0x1, s1  }
0x8c: {  	s16 =	sshll.u32 s0, $0xA;
	s2 =	sadd.s32 s3, s2  }
0x8d: {  	s2 =	sadd.s32 s2, s16  }
0x8e: {  	[smem:$0x3FC6] =	sst s2  }
0x8f: {  	_ = 	snop  }
0x90: {  	(tm) =	ssettm $0x1  }
0x91: {  	s17 =	sld [smem:$0x3FFB];
	_ =	sdelay $0x3  }
0x92: {  	_ =	strace s17  }
0x93: {  	s2 =	sld [smem:$0x3FFC];
	_ =	sdelay $0x3  }
0x94: {  	_ =	strace s2  }
0x95: {  	s2 =	sld [smem:$0x3FFD];
	_ =	sdelay $0x3  }
0x96: {  	_ =	strace s2  }
0x97: {  	_ =	strace $0x8FFFFFFF  }
0x98: {  	s18 =	sld [smem:$0x3FDB];
	_ =	sdelay $0x1  }
0x99: {  	s19 =	simm.s32 $_scs_section_size  }
0x9a: {  	s4 =	simm.s32 $_size__tile_overlayer_lowered;
	s5 =	simm.s32 $_tile_overlayer_lowered  }
0x9b: {  	s22 =	simm.s32 $0x1BFF;
	s21 =	sshll.u32 s5, $0x1;
	s2 =	sadd.s32 s19, s18  }
0x9c: {  	s6 =	simm.s32 $0x0;
	s20 =	sshll.u32 s4, $0x1;
	s4 =	sadd.s32 s21, s2  }
0x9d: {  	[timem:s6], [sflag:s22] =	dma.local [hbm:s4], s20  }
0x9e: {  	_ =	swait.ge [sflag:s22], s20  }
0x9f: {  	s3 =	ssub.s32 $0x0, s20;
	[sflag:s22] =	ssyncset.done $0x0  }
0xa0: {  	[sflag:s22] =	ssyncadd.s32 s3;
	_ =	sdelay $0x1  }
0xa1: {  	s23 =	simm.s32 $0x1B8B  }
0xa2: {  	_ =	swait.ge [sflag:s23], $0x1  }
0xa3: {  	[sflag:s23] =	ssyncset.done $0x0  }
0xa4: {  	s25 =	simm.s32 $0x1B8E;
	s24 =	sld [smem:$0x3FFE];
	[sflag:s23] =	ssyncadd.s32 $0xFFFFFFFF  }
0xa5: {  	s26 =	simm.s32 $execute0_lowered;
	[smem:$0x3FD2] =	sst s25  }
0xa6: {  	s4 =	sshll.u32 s26, $0x1;
	_ =	strace $0x80000046;
	[dreg:$0x1] =	wrdreg $0xFFFFFFFF  }
0xa7: {  	s28 =	simm.s32 $_size_execute0_lowered;
	s2 =	sadd.s32 s2, s4;
	[dreg:$0x0] =	wrdreg $0x0  }
0xa8: {  	s4 =	sshll.u32 s28, $0x1;
	[dreg:$0x2] =	wrdreg s2  }
0xa9: {  	[dreg:$0x3] =	wrdreg s4  }
0xaa: {  	[dreg:$0x4] =	wrdreg $0xC0  }
0xab: {  	_ =	task [dreg:s6], $0x5FFFF  }
0xac: {  	[dreg:$0x1] =	wrdreg $0xFFFFFFFF  }
0xad: {  	[dreg:$0x0] =	wrdreg $0x60  }
0xae: {  	[dreg:$0x2] =	wrdreg s24  }
0xaf: {  	[dreg:$0x3] =	wrdreg $0x9  }
0xb0: {  	_ =	task.clear_ibuf [dreg:s6], $0x4FFFF;
	_ =	strace $0x90000046  }
0xb1: {  	s29 =	simm.s32 $0x9;
	_ =	strace $0x80000048  }
0xb2: {  	_ =	swait.ge [sflag:s29], $0x1  }
0xb3: {  	[sflag:s29] =	ssyncadd.s32 $0xFFFFFFFF  }
0xb4: {  	_ =	strace $0x90000048  }
0xb5: {  	_ =	sfence  }
0xb6: {  	s30 =	sld [smem:$0x0];
	_ =	sdelay $0x2  }
0xb7: {  	s31 =	sshll.u32 s1, $0xD;
	s1 =	sshrl.u32 s1, $0x2  }
0xb8: {  	s3 =	sand.u32 $0x4000, s31;
	s1 =	sadd.s32 s1, s30  }
0xb9: {  	s0 =	sor.u32 s3, s0;
	s1 =	sshll.u32 s1, $0x11  }
0xba: {  	s0 =	sor.u32 s1, s0  }
0xbb: {  	s0 =	sadd.s32 $0x8F2B, s0  }
0xbc: {  	[sflag:s0] =	ssyncadd.remote.s32 $0x1  }
0xbd: {  	_ =	sfence.sel $0xFFFF  }
0xbe: {  	[dreg:$0x0] =	wrdreg $0xFFFFFFFF;
	(pc) =	sbr.abs _section_cstart, $3  }
0xbf: {  	[dreg:$0x1] =	wrdreg $0xFFFFFFFF  }
0xc0: {  	_ =	task.clear_ibuf [dreg:s6], $0x2FFFF;
	_ =	strace $0x9FFFFFFF  }
0xc1: {  	(tm) =	ssettm $0x7FFFFFFF  }
tec
execute0_lowered:
.L_overlay_start_1:
0x0: {  	(tag) =	ssettag $0x1  }
0x1: {  	s1 =	srdreg.scid;
	s0 =	stileid.u32  }
0x2: {  	s3 =	rddreg [dreg:$0x0];
	s2 =	simm.s32 $0x0;
	s8 =	simm.s32 $0x8000  }
0x3: {  	s9 =	simm.s32 $0x10000;
	s10 =	simm.s32 $0x80;
	s11 =	simm.s32 $0x400  }
0x4: {  	s12 =	simm.s32 $0x18000;
	s4 =	sand.u32 $0x1, s1;
	s5 =	sshll.u32 s0, $0x1  }
0x5: {  	s13 =	simm.s32 $0x18800;
	s14 =	simm.s32 $0x0;
	s5 =	sor.u32 s4, s5  }
0x6: {  	[smem:$0x7FF] =	sst s2;
	s6 =	sshll.u32 s0, $0x9;
	s7 =	sshll.u32 s5, $0x4  }
0x7: {  	s1 =	rddreg [dreg:$0x1];
	_ =	strace $0x80000047;
	s6 =	sor.u32 s6, s7  }
0x8: {  	s4 =	ssub.s32 $0x2, s4;
	s5 =	sshll.u32 s5, $0xC;
	s6 =	sand.u32 $0x1870, s6  }
0x9: {  	s31 =	sshrl.u32 s4, $0x1;
	s5 =	sadd.s32 s5, s3;
	s6 =	sadd.s32 s6, s3  }
0xa: {  	v1 =	vlaneseq.u32;
	s7 =	ssub.s32 s4, s31;
	s3 =	sadd.s32 $0x1200, s5;
	s4 =	sadd.s32 $0x21200, s6  }
0xb: {  	v0 =	vimm.f32 $0.0e+00;
	v2 =	vimm.f32 $1.000000000e+00;
	v1 =	vmul.u32 $0x800, v1;
	s5 =	sadd.s32 $0x23200, s6;
	s6 =	smax.u32 s7, $0x1;
	s7 =	simm.s32 $0x1  }
.LBB2_1:
0xc: {  	[tilespmem:s2], [sflag:$0x1] =	stream.linear.gather [hbm4b:s3+s2], $0x8000, $0x38;
	[tilespmem:$0x19000] =	vst v63  }
0xd: {  	_ =	swait.ge [sflag:s7], $0x8000  }
0xe: {  	[sflag:s7] =	ssyncset.done $0x0  }
0xf: {  	s16 =	simm.s32 $0x8040;
	[sflag:s7] =	ssyncadd.s32 $0xFFFF8000  }
0x10: {  	s17 =	simm.s32 $0x10040;
	[tilespmem:s16+$0xFFFFFFC0] =	vst v0  }
0x11: {  	[tilespmem:s17+$0xFFFFFFC0] =	vst v0  }
0x12: {  	[tilespmem:s16+$0xFFFFFFD0] =	vst v0  }
0x13: {  	[tilespmem:s17+$0xFFFFFFD0] =	vst v0  }
0x14: {  	[tilespmem:s16+$0xFFFFFFE0] =	vst v0  }
0x15: {  	[tilespmem:s17+$0xFFFFFFE0] =	vst v0  }
0x16: {  	[tilespmem:s16+$0xFFFFFFF0] =	vst v0  }
0x17: {  	[tilespmem:s17+$0xFFFFFFF0] =	vst v0  }
0x18: {  	[tilespmem:s16+$0x0] =	vst v0  }
0x19: {  	[tilespmem:s17+$0x0] =	vst v0  }
0x1a: {  	[tilespmem:s16+$0x10] =	vst v0  }
0x1b: {  	[tilespmem:s17+$0x10] =	vst v0  }
0x1c: {  	[tilespmem:s16+$0x20] =	vst v0  }
0x1d: {  	[tilespmem:s17+$0x20] =	vst v0  }
0x1e: {  	s15 =	simm.s32 $0xFFFFFFF8;
	[tilespmem:s16+$0x30] =	vst v0  }
0x1f: {  	s18 =	simm.s32 $0x0;
	s19 =	simm.s32 $0x80C0;
	s16 =	simm.s32 $0x40;
	[tilespmem:s17+$0x30] =	vst v0  }
.LBB2_2:
0x20: {  	[tilespmem:s19+$0xFFFFFFC0] =	vst v0;
	s17 =	sadd.s32 $0x80, s17  }
0x21: {  	[tilespmem:s17+$0xFFFFFFC0] =	vst v0  }
0x22: {  	[tilespmem:s19+$0xFFFFFFD0] =	vst v0  }
0x23: {  	[tilespmem:s17+$0xFFFFFFD0] =	vst v0  }
0x24: {  	[tilespmem:s19+$0xFFFFFFE0] =	vst v0  }
0x25: {  	[tilespmem:s17+$0xFFFFFFE0] =	vst v0  }
0x26: {  	[tilespmem:s19+$0xFFFFFFF0] =	vst v0  }
0x27: {  	[tilespmem:s17+$0xFFFFFFF0] =	vst v0  }
0x28: {  	[tilespmem:s19+$0x0] =	vst v0  }
0x29: {  	s18 =	sadd.s32 $0x8, s18;
	[tilespmem:s17+$0x0] =	vst v0  }
0x2a: {  	p0 =	slt.u32 s18, $0x7F8;
	[tilespmem:s19+$0x10] =	vst v0  }
.Ltmp0:
0x2b: {  	[tilespmem:s17+$0x10] =	vst v0;
	(pc) =	sbr.rel @p0 .LBB2_2-.Ltmp0, $4  }
0x2c: {  	[tilespmem:s19+$0x20] =	vst v0  }
0x2d: {  	[tilespmem:s17+$0x20] =	vst v0  }
0x2e: {  	[tilespmem:s19+$0x30] =	vst v0  }
0x2f: {  	s19 =	sadd.s32 $0x80, s19;
	[tilespmem:s17+$0x30] =	vst v0  }
.LBB2_3:
0x30: {  	v3 =	vld [tilespmem:s16+$0xFFFFFFC0];
	_ =	sdelay $0x4  }
0x31: {  	v4 =	vshrl.u32 v3, $0x14  }
0x32: {  	v5 =	vadd.s32 v1, v4  }
0x33: {  	v4 =	vand.u32 $0x7F, v4;
	v5 =	vand.u32 $0xFF80, v5  }
0x34: {  	v4 =	vor.u32 v4, v5;
	_ =	sdelay $0x4  }
0x35: {  	[tilespmem:v4+s8+$0x0] =	vst.idx.add.f32.msk $0xffff, v2  }
0x36: {  	[tilespmem:v4+s9+$0x0] =	vst.idx.add.f32.msk $0xffff, v3  }
0x37: {  	v3 =	vld [tilespmem:s16+$0xFFFFFFD0];
	_ =	sdelay $0x4  }
0x38: {  	v50 =	vshrl.u32 v3, $0x14  }
0x39: {  	v51 =	vadd.s32 v1, v50  }
0x3a: {  	v4 =	vand.u32 $0x7F, v50;
	v5 =	vand.u32 $0xFF80, v51  }
0x3b: {  	v4 =	vor.u32 v4, v5;
	_ =	sdelay $0x4  }
0x3c: {  	[tilespmem:v4+s8+$0x0] =	vst.idx.add.f32.msk $0xffff, v2  }
0x3d: {  	[tilespmem:v4+s9+$0x0] =	vst.idx.add.f32.msk $0xffff, v3  }
0x3e: {  	v3 =	vld [tilespmem:s16+$0xFFFFFFE0];
	_ =	sdelay $0x4  }
0x3f: {  	v52 =	vshrl.u32 v3, $0x14  }
0x40: {  	v53 =	vadd.s32 v1, v52  }
0x41: {  	v4 =	vand.u32 $0x7F, v52;
	v5 =	vand.u32 $0xFF80, v53  }
0x42: {  	v4 =	vor.u32 v4, v5;
	_ =	sdelay $0x4  }
0x43: {  	[tilespmem:v4+s8+$0x0] =	vst.idx.add.f32.msk $0xffff, v2  }
0x44: {  	[tilespmem:v4+s9+$0x0] =	vst.idx.add.f32.msk $0xffff, v3  }
0x45: {  	v3 =	vld [tilespmem:s16+$0xFFFFFFF0];
	_ =	sdelay $0x4  }
0x46: {  	v54 =	vshrl.u32 v3, $0x14  }
0x47: {  	v55 =	vadd.s32 v1, v54  }
0x48: {  	v4 =	vand.u32 $0x7F, v54;
	v5 =	vand.u32 $0xFF80, v55  }
0x49: {  	v4 =	vor.u32 v4, v5;
	_ =	sdelay $0x4  }
0x4a: {  	[tilespmem:v4+s8+$0x0] =	vst.idx.add.f32.msk $0xffff, v2  }
0x4b: {  	[tilespmem:v4+s9+$0x0] =	vst.idx.add.f32.msk $0xffff, v3  }
0x4c: {  	v3 =	vld [tilespmem:s16+$0x0];
	_ =	sdelay $0x4  }
0x4d: {  	v56 =	vshrl.u32 v3, $0x14  }
0x4e: {  	v57 =	vadd.s32 v1, v56  }
0x4f: {  	v4 =	vand.u32 $0x7F, v56;
	v5 =	vand.u32 $0xFF80, v57  }
0x50: {  	v4 =	vor.u32 v4, v5;
	_ =	sdelay $0x4  }
0x51: {  	[tilespmem:v4+s8+$0x0] =	vst.idx.add.f32.msk $0xffff, v2  }
0x52: {  	[tilespmem:v4+s9+$0x0] =	vst.idx.add.f32.msk $0xffff, v3  }
0x53: {  	v3 =	vld [tilespmem:s16+$0x10];
	_ =	sdelay $0x4  }
0x54: {  	v58 =	vshrl.u32 v3, $0x14  }
0x55: {  	v59 =	vadd.s32 v1, v58  }
0x56: {  	v4 =	vand.u32 $0x7F, v58;
	v5 =	vand.u32 $0xFF80, v59  }
0x57: {  	v4 =	vor.u32 v4, v5;
	_ =	sdelay $0x4  }
0x58: {  	[tilespmem:v4+s8+$0x0] =	vst.idx.add.f32.msk $0xffff, v2  }
0x59: {  	[tilespmem:v4+s9+$0x0] =	vst.idx.add.f32.msk $0xffff, v3  }
0x5a: {  	v3 =	vld [tilespmem:s16+$0x20];
	_ =	sdelay $0x4  }
0x5b: {  	v60 =	vshrl.u32 v3, $0x14  }
0x5c: {  	v61 =	vadd.s32 v1, v60  }
0x5d: {  	v4 =	vand.u32 $0x7F, v60;
	v5 =	vand.u32 $0xFF80, v61  }
0x5e: {  	v4 =	vor.u32 v4, v5;
	_ =	sdelay $0x4  }
0x5f: {  	[tilespmem:v4+s8+$0x0] =	vst.idx.add.f32.msk $0xffff, v2  }
0x60: {  	[tilespmem:v4+s9+$0x0] =	vst.idx.add.f32.msk $0xffff, v3  }
0x61: {  	v3 =	vld [tilespmem:s16+$0x30];
	_ =	sdelay $0x4  }
0x62: {  	v62 =	vshrl.u32 v3, $0x14  }
0x63: {  	v63 =	vadd.s32 v1, v62  }
0x64: {  	v4 =	vand.u32 $0x7F, v62;
	v5 =	vand.u32 $0xFF80, v63  }
0x65: {  	s15 =	sadd.s32 $0x8, s15;
	v4 =	vor.u32 v4, v5  }
0x66: {  	p0 =	slt.u32 s15, $0x7F8  }
.Ltmp1:
0x67: {  	_ = 	snop;
	(pc) =	sbr.rel @p0 .LBB2_3-.Ltmp1, $3  }
0x68: {  	_ =	sdelay $0x1  }
0x69: {  	[tilespmem:v4+s8+$0x0] =	vst.idx.add.f32.msk $0xffff, v2  }
0x6a: {  	s16 =	sadd.s32 $0x80, s16;
	[tilespmem:v4+s9+$0x0] =	vst.idx.add.f32.msk $0xffff, v3  }
0x6b: {  	s15 =	simm.s32 $0x0  }
0x6c: {  	v3 =	vld [tilespmem:s15+$0x10000]  }
0x6d: {  	v4 =	vld [tilespmem:s15+$0x10800]  }
0x6e: {  	v5 =	vld [tilespmem:s15+$0x8000]  }
0x6f: {  	v6 =	vld [tilespmem:s15+$0x11000]  }
0x70: {  	v7 =	vld [tilespmem:s15+$0x8800]  }
0x71: {  	v8 =	vld [tilespmem:s15+$0x11800]  }
0x72: {  	v3 =	vadd.f32 v4, v3;
	v4 =	vld [tilespmem:s15+$0x9000]  }
0x73: {  	v9 =	vld [tilespmem:s15+$0x12000]  }
0x74: {  	v3 =	vadd.f32 v6, v3;
	v6 =	vld [tilespmem:s15+$0x9800]  }
0x75: {  	v10 =	vld [tilespmem:s15+$0x12800];
	v5 =	vadd.f32 v7, v5  }
0x76: {  	v7 =	vld [tilespmem:s15+$0xA000];
	v3 =	vadd.f32 v8, v3  }
0x77: {  	v8 =	vld [tilespmem:s15+$0x13000];
	v4 =	vadd.f32 v4, v5  }
0x78: {  	v5 =	vld [tilespmem:s15+$0xA800];
	v3 =	vadd.f32 v9, v3  }
0x79: {  	v9 =	vld [tilespmem:s15+$0x13800];
	v4 =	vadd.f32 v6, v4  }
0x7a: {  	v6 =	vld [tilespmem:s15+$0xB000];
	v3 =	vadd.f32 v10, v3  }
0x7b: {  	v10 =	vld [tilespmem:s15+$0x14000];
	v4 =	vadd.f32 v7, v4  }
0x7c: {  	v7 =	vld [tilespmem:s15+$0xB800];
	v3 =	vadd.f32 v8, v3  }
0x7d: {  	v8 =	vld [tilespmem:s15+$0x14800];
	v4 =	vadd.f32 v5, v4  }
0x7e: {  	v5 =	vld [tilespmem:s15+$0xC000];
	v3 =	vadd.f32 v9, v3  }
0x7f: {  	v9 =	vld [tilespmem:s15+$0x15000];
	v4 =	vadd.f32 v6, v4  }
0x80: {  	v6 =	vld [tilespmem:s15+$0xC800];
	v3 =	vadd.f32 v10, v3  }
0x81: {  	v10 =	vld [tilespmem:s15+$0x15800];
	v4 =	vadd.f32 v7, v4  }
0x82: {  	v7 =	vld [tilespmem:s15+$0xD000];
	v3 =	vadd.f32 v8, v3  }
0x83: {  	v8 =	vld [tilespmem:s15+$0x16000];
	v4 =	vadd.f32 v5, v4  }
0x84: {  	v3 =	vadd.f32 v9, v3;
	v9 =	vld [tilespmem:s15+$0xD800]  }
0x85: {  	v11 =	vld [tilespmem:s15+$0x16800];
	v4 =	vadd.f32 v6, v4  }
0x86: {  	v3 =	vadd.f32 v10, v3;
	v10 =	vld [tilespmem:s15+$0xE000]  }
0x87: {  	v12 =	vld [tilespmem:s15+$0x17000];
	v4 =	vadd.f32 v7, v4  }
0x88: {  	v5 =	vld [tilespmem:s15+$0xE800];
	v3 =	vadd.f32 v8, v3  }
0x89: {  	v6 =	vld [tilespmem:s15+$0x17800];
	v8 =	vadd.f32 v9, v4  }
0x8a: {  	v7 =	vld [tilespmem:s15+$0xF000];
	v9 =	vadd.f32 v11, v3  }
0x8b: {  	s16 =	simm.s32 $0x10;
	v4 =	vld [tilespmem:s15+$0xF800];
	v8 =	vadd.f32 v10, v8  }
0x8c: {  	s17 =	simm.s32 $0x80;
	v3 =	vld [tilespmem:s16+$0x10000];
	v9 =	vadd.f32 v12, v9  }
.LBB2_5:
0x8d: {  	p0 =	sne.s32 s17, $0x1FC0;
	v10 =	vld [tilespmem:s16+$0x10800];
	v5 =	vadd.f32 v5, v8  }
0x8e: {  	v8 =	vld [tilespmem:s16+$0x8000];
	v6 =	vadd.f32 v6, v9  }
0x8f: {  	v9 =	vld [tilespmem:s16+$0x11000];
	v5 =	vadd.f32 v7, v5  }
0x90: {  	v7 =	vld [tilespmem:s16+$0x8800];
	[tilespmem:s15+$0x18800] =	vst v6  }
0x91: {  	v6 =	vld [tilespmem:s16+$0x11800];
	v4 =	vadd.f32 v4, v5  }
0x92: {  	v3 =	vadd.f32 v10, v3;
	v5 =	vld [tilespmem:s16+$0x9000]  }
0x93: {  	v10 =	vld [tilespmem:s16+$0x12000];
	[tilespmem:s15+$0x18000] =	vst v4;
	s15 =	smov.u32 s16  }
0x94: {  	v3 =	vadd.f32 v9, v3;
	v4 =	vld [tilespmem:s15+$0x9800]  }
0x95: {  	v7 =	vadd.f32 v7, v8;
	v8 =	vld [tilespmem:s15+$0x12800]  }
0x96: {  	v3 =	vadd.f32 v6, v3;
	v6 =	vld [tilespmem:s15+$0xA000]  }
0x97: {  	v5 =	vadd.f32 v5, v7;
	v7 =	vld [tilespmem:s15+$0x13000]  }
0x98: {  	v3 =	vadd.f32 v10, v3;
	v9 =	vld [tilespmem:s15+$0xA800]  }
0x99: {  	v4 =	vadd.f32 v4, v5;
	v5 =	vld [tilespmem:s15+$0x13800]  }
0x9a: {  	v3 =	vadd.f32 v8, v3;
	v8 =	vld [tilespmem:s15+$0xB000]  }
0x9b: {  	v4 =	vadd.f32 v6, v4;
	v6 =	vld [tilespmem:s15+$0x14000]  }
0x9c: {  	v3 =	vadd.f32 v7, v3;
	v7 =	vld [tilespmem:s15+$0xB800]  }
0x9d: {  	v4 =	vadd.f32 v9, v4;
	v9 =	vld [tilespmem:s15+$0x14800]  }
0x9e: {  	v3 =	vadd.f32 v5, v3;
	v5 =	vld [tilespmem:s15+$0xC000]  }
0x9f: {  	v4 =	vadd.f32 v8, v4;
	v8 =	vld [tilespmem:s15+$0x15000]  }
0xa0: {  	v3 =	vadd.f32 v6, v3;
	v6 =	vld [tilespmem:s15+$0xC800]  }
0xa1: {  	v4 =	vadd.f32 v7, v4;
	v7 =	vld [tilespmem:s15+$0x15800]  }
0xa2: {  	v3 =	vadd.f32 v9, v3;
	v9 =	vld [tilespmem:s15+$0xD000]  }
0xa3: {  	v4 =	vadd.f32 v5, v4;
	v5 =	vld [tilespmem:s15+$0x16000]  }
0xa4: {  	v3 =	vadd.f32 v8, v3;
	v8 =	vld [tilespmem:s15+$0xD800]  }
0xa5: {  	v4 =	vadd.f32 v6, v4;
	v10 =	vld [tilespmem:s15+$0x16800]  }
0xa6: {  	v3 =	vadd.f32 v7, v3;
	v11 =	vld [tilespmem:s15+$0xE000]  }
0xa7: {  	v4 =	vadd.f32 v9, v4;
	v9 =	vld [tilespmem:s15+$0x17000]  }
.Ltmp2:
0xa8: {  	v3 =	vadd.f32 v5, v3;
	v5 =	vld [tilespmem:s15+$0xE800];
	(pc) =	sbr.rel @p0 .LBB2_5-.Ltmp2, $4  }
0xa9: {  	v4 =	vadd.f32 v8, v4;
	v6 =	vld [tilespmem:s15+$0x17800]  }
0xaa: {  	v10 =	vadd.f32 v10, v3;
	v7 =	vld [tilespmem:s15+$0xF000]  }
0xab: {  	s16 =	sshra.s32 s17, $0x2;
	v8 =	vadd.f32 v11, v4;
	v4 =	vld [tilespmem:s15+$0xF800]  }
0xac: {  	s17 =	sadd.s32 $0x40, s17;
	v3 =	vld [tilespmem:s16+$0x10000];
	v9 =	vadd.f32 v9, v10  }
0xad: {  	v10 =	vld [tilespmem:s16+$0x10800];
	v5 =	vadd.f32 v5, v8  }
0xae: {  	v11 =	vld [tilespmem:s16+$0x8000];
	v6 =	vadd.f32 v6, v9  }
0xaf: {  	v37 =	vld [tilespmem:s16+$0x11000];
	v5 =	vadd.f32 v7, v5  }
0xb0: {  	v38 =	vld [tilespmem:s16+$0x8800];
	[tilespmem:s15+$0x18800] =	vst v6  }
0xb1: {  	v6 =	vld [tilespmem:s16+$0x11800];
	v4 =	vadd.f32 v4, v5  }
0xb2: {  	v39 =	vld [tilespmem:s16+$0x9000]  }
0xb3: {  	v40 =	vld [tilespmem:s16+$0x12000];
	[tilespmem:s15+$0x18000] =	vst v4  }
0xb4: {  	v3 =	vadd.f32 v10, v3;
	v4 =	vld [tilespmem:s16+$0x9800]  }
0xb5: {  	v9 =	vadd.f32 v38, v11  }
0xb6: {  	v3 =	vadd.f32 v37, v3;
	v41 =	vld [tilespmem:s16+$0xA000]  }
0xb7: {  	v42 =	vld [tilespmem:s16+$0x12800];
	v5 =	vadd.f32 v39, v9  }
0xb8: {  	v43 =	vld [tilespmem:s16+$0xA800];
	v3 =	vadd.f32 v6, v3  }
0xb9: {  	v44 =	vld [tilespmem:s16+$0x13000];
	v4 =	vadd.f32 v4, v5  }
0xba: {  	v45 =	vld [tilespmem:s16+$0xB000];
	v3 =	vadd.f32 v40, v3  }
0xbb: {  	v46 =	vld [tilespmem:s16+$0x13800];
	v4 =	vadd.f32 v41, v4  }
0xbc: {  	v47 =	vld [tilespmem:s16+$0xB800];
	v3 =	vadd.f32 v42, v3  }
0xbd: {  	v48 =	vld [tilespmem:s16+$0x14000];
	v4 =	vadd.f32 v43, v4  }
0xbe: {  	v49 =	vld [tilespmem:s16+$0xC000];
	v3 =	vadd.f32 v44, v3  }
0xbf: {  	v50 =	vld [tilespmem:s16+$0x14800];
	v4 =	vadd.f32 v45, v4  }
0xc0: {  	v51 =	vld [tilespmem:s16+$0xC800];
	v3 =	vadd.f32 v46, v3  }
0xc1: {  	v52 =	vld [tilespmem:s16+$0x15000];
	v4 =	vadd.f32 v47, v4  }
0xc2: {  	v53 =	vld [tilespmem:s16+$0xD000];
	v3 =	vadd.f32 v48, v3  }
0xc3: {  	v54 =	vld [tilespmem:s16+$0x15800];
	v4 =	vadd.f32 v49, v4  }
0xc4: {  	v55 =	vld [tilespmem:s16+$0xD800];
	v3 =	vadd.f32 v50, v3  }
0xc5: {  	v56 =	vld [tilespmem:s16+$0x16000];
	v4 =	vadd.f32 v51, v4  }
0xc6: {  	v57 =	vld [tilespmem:s16+$0xE000];
	v3 =	vadd.f32 v52, v3  }
0xc7: {  	v58 =	vld [tilespmem:s16+$0x16800];
	v4 =	vadd.f32 v53, v4  }
0xc8: {  	v59 =	vld [tilespmem:s16+$0xE800];
	v3 =	vadd.f32 v54, v3  }
0xc9: {  	v60 =	vld [tilespmem:s16+$0x17000];
	v4 =	vadd.f32 v55, v4  }
0xca: {  	v61 =	vld [tilespmem:s16+$0xF000];
	v3 =	vadd.f32 v56, v3  }
0xcb: {  	v62 =	vld [tilespmem:s16+$0x17800];
	v4 =	vadd.f32 v57, v4  }
0xcc: {  	v63 =	vld [tilespmem:s16+$0xF800];
	v3 =	vadd.f32 v58, v3  }
0xcd: {  	v4 =	vadd.f32 v59, v4  }
0xce: {  	v3 =	vadd.f32 v60, v3  }
0xcf: {  	v4 =	vadd.f32 v61, v4  }
0xd0: {  	v3 =	vadd.f32 v62, v3  }
0xd1: {  	v4 =	vadd.f32 v63, v4  }
0xd2: {  	[tilespmem:s16+$0x18800] =	vst v3  }
0xd3: {  	[tilespmem:s16+$0x18000] =	vst v4  }
0xd4: {  	[hbm4b:s4+s10] =	stream.strided.scatter [tilespmem:s12], [sflag:$0x1], $0x800, s11, s10, $0x38;
	[tilespmem:$0x19000] =	vst v63  }
0xd5: {  	s14 =	sadd.s32 $0x1, s14;
	_ =	swait.ge [sflag:s7], $0x800  }
0xd6: {  	p0 =	sne.s32 s14, s6;
	[sflag:s7] =	ssyncset.done $0x0  }
.Ltmp3:
0xd7: {  	[sflag:s7] =	ssyncadd.s32 $0xFFFFF800;
	(pc) =	sbr.rel @p0 .LBB2_1-.Ltmp3, $4  }
0xd8: {  	[hbm4b:s5+s10] =	stream.strided.scatter [tilespmem:s13], [sflag:$0x1], $0x800, s11, s10, $0x38;
	[tilespmem:$0x19000] =	vst v63  }
0xd9: {  	_ =	swait.ge [sflag:s7], $0x800  }
0xda: {  	[sflag:s7] =	ssyncset.done $0x0  }
0xdb: {  	[sflag:s7] =	ssyncadd.s32 $0xFFFFF800  }
0xdc: {  	_ =	sfence.sel $0x180000  }
0xdd: {  	[bflag:$0x0] =	sbarrier.arrive $0xFFFF  }
0xde: {  	p0 =	sne.s32 s0, $0x0;
	_ =	strace $0x90000047  }
0xdf: {  	s0 =	sadd.s32 @!p0 $0x100000, s1;
	[bflag:$0x2] =	sbarrier.arrive $0xFFFF  }
0xe0: {  	[sflag:s0] =	ssyncadd.tile.s32 @!p0 $0x1;
	_ =	shalt  }
.Lfunc_end2:
_tile_overlayer_lowered:
.L_overlay_start_2:
0xe1: {  	(tag) =	ssettag $0x2  }
0xe2: {  	s0 =	rddreg [dreg:$0x0];
	s2 =	stileid.u32  }
0xe3: {  	s1 =	rddreg [dreg:$0x1];
	p0 =	sne.s32 s2, $0x0  }
0xe4: {  	s3 =	rddreg [dreg:$0x2];
	[bflag:$0x3] =	sbarrier.arrive $0xFFFF;
	s2 =	simm.s32 @!p0 $0x1C01  }
0xe5: {  	[timem:s3], [sflag:s2] =	dma.local @!p0 [hbm:s0], s1  }
0xe6: {  	s0 =	simm.s32 @!p0 $0x1  }
0xe7: {  	_ =	swait.ge @!p0 [sflag:s0], s1  }
0xe8: {  	s1 =	ssub.s32 @!p0 $0x0, s1;
	[sflag:s0] =	ssyncset.done @!p0 $0x0  }
0xe9: {  	[sflag:s0] =	ssyncadd.s32 @!p0 s1  }
0xea: {  	[bflag:$0x3] =	sbarrier.arrive $0xFFFF  }
0xeb: {  	_ =	shalt  }

</sc_bundles>
